<compile_context>
chip_gen: v7x
topology: tpu7x:2x2x1
jax: 0.10.2.dev20260603
libtpu: 0.0.44.dev20260713+nightly
codegen_flags: <defaults>
</compile_context>

<pallas_src>
import jax
import jax.numpy as jnp
from jax.experimental import pallas as pl
from jax.experimental.pallas import tpu as pltpu
from jax.experimental.pallas import tpu_sc as plsc

_C = 2
_K = 320
_D = 384
_DIN = 768
_CK = _C * _K
_TM = 1024
_GW = 256


def _logits_argmax_body(x_ref, wt0_ref, wt1_ref, b_ref, logits_ref, idx_ref):
    x = x_ref[...].astype(jnp.bfloat16)
    dn = (((1,), (0,)), ((), ()))
    l0 = jax.lax.dot_general(x, wt0_ref[...], dn,
                             preferred_element_type=jnp.float32)
    l1 = jax.lax.dot_general(x, wt1_ref[...], dn,
                             preferred_element_type=jnp.float32)
    l0 = l0 + b_ref[0, 0, :][None, :]
    l1 = l1 + b_ref[0, 1, :][None, :]
    logits_ref[:, 0, :] = l0
    logits_ref[:, 1, :] = l1
    lane = jax.lax.broadcasted_iota(
        jnp.int32, (_TM, _K), 1).astype(jnp.float32)
    big = jnp.float32(_CK)
    m0 = jnp.max(l0, axis=1, keepdims=True)
    m1 = jnp.max(l1, axis=1, keepdims=True)
    i0 = jnp.min(jnp.where(l0 == m0, lane, big),
                 axis=1, keepdims=True).astype(jnp.int32)
    i1 = jnp.min(jnp.where(l1 == m1, lane, big),
                 axis=1, keepdims=True).astype(jnp.int32)
    idx_ref[0:1, :] = i0.T
    idx_ref[1:2, :] = i1.T + _K


def _logits_and_indices(xf, wt0, wt1, b3d):
    t = xf.shape[0]
    return pl.pallas_call(
        _logits_argmax_body,
        grid=(t // _TM,),
        in_specs=[
            pl.BlockSpec((_TM, _DIN), lambda i: (i, 0)),
            pl.BlockSpec((_DIN, _K), lambda i: (0, 0)),
            pl.BlockSpec((_DIN, _K), lambda i: (0, 0)),
            pl.BlockSpec((1, _C, _K), lambda i: (0, 0, 0)),
        ],
        out_specs=[
            pl.BlockSpec((_TM, _C, _K), lambda i: (i, 0, 0)),
            pl.BlockSpec((_C, _TM), lambda i: (0, i)),
        ],
        out_shape=[
            jax.ShapeDtypeStruct((t, _C, _K), jnp.float32),
            jax.ShapeDtypeStruct((_C, t), jnp.int32),
        ],
    )(xf, wt0, wt1, b3d)


def _sc_gather(qc_seg, idx_mat):
    n = idx_mat.shape[1]
    mesh = plsc.VectorSubcoreMesh(core_axis_name="core",
                                  subcore_axis_name="subcore")

    @pl.kernel(out_type=jax.ShapeDtypeStruct((n, 128), jnp.float32),
               mesh=mesh)
    def gather_kernel(qc_hbm, i_hbm, o_hbm):
        def body(i_vmem, o_vmem):
            pltpu.sync_copy(qc_hbm.at[i_vmem.at[0]], o_vmem)

        pltpu.emit_pipeline(
            body,
            grid=(n // _GW,),
            in_specs=[pl.BlockSpec((1, _GW), lambda i: (0, i))],
            out_specs=[pl.BlockSpec((_GW, 128), lambda i: (i, 0))],
            core_axis_name=("core", "subcore"),
            dimension_semantics=(pltpu.PARALLEL,),
        )(i_hbm, o_hbm)

    return gather_kernel(qc_seg, idx_mat)


def kernel(x, quantization_choices, W, b):
    B, S, _ = x.shape
    t = B * S
    xf = x.reshape(t, _DIN)
    wt = W.T.astype(jnp.bfloat16)
    wt0, wt1, b3d = wt[:, :_K], wt[:, _K:], b.reshape(1, _C, _K)
    logits, idx = _logits_and_indices(xf, wt0, wt1, b3d)
    nseg = _D // 128
    a = idx.reshape(_C, t // 8, 8)
    seg = jax.lax.broadcasted_iota(jnp.int32, (_C, t // 8, nseg, 8), 2)
    idx6 = nseg * a[:, :, None, :] + seg
    idx6 = idx6.transpose(1, 0, 2, 3).reshape(1, t * _C * nseg)
    qc_seg = quantization_choices.reshape(_CK * (_D // 128), 128)
    rows = _sc_gather(qc_seg, idx6)
    q = (rows.reshape(t // 8, _C * (_D // 128), 8, 128)
         .transpose(0, 2, 1, 3).reshape(B, S, _C * _D))
    return q, logits.reshape(B, S, _C, _K)

# --- scband reference (transcript-rebuilt; emitter-appended) ---
"""Pipeline reference for scband-quantization-layer-3770981286078 (READ-ONLY COPY).

The authoritative reference and input builder live on the scoring server;
editing this copy changes nothing except your own understanding.
"""

import jax, jax.numpy as jnp
import numpy as np

NUM_CODEBOOKS = 2
NUM_ENTRIES = 320
OUTPUT_DIM = 768
ENTRY_DIM = OUTPUT_DIM // NUM_CODEBOOKS
NUM_DIM_SPEECH = 768


def setup_inputs(seed: int = 0) -> dict:
    key = jax.random.key(seed)
    k1, k2, k3 = jax.random.split(key, 3)
    x = jax.random.normal(k1, (4, 2048, NUM_DIM_SPEECH), dtype=jnp.float32)
    # nn.init.uniform_ -> U[0,1)
    quantization_choices = jax.random.uniform(
        k2, (NUM_CODEBOOKS * NUM_ENTRIES, ENTRY_DIM), dtype=jnp.float32)
    # classification layer: weight ~ N(0,1), bias zeros (per module init)
    W = jax.random.normal(
        k3, (NUM_CODEBOOKS * NUM_ENTRIES, NUM_DIM_SPEECH), dtype=jnp.float32)
    b = jnp.zeros((NUM_CODEBOOKS * NUM_ENTRIES,), dtype=jnp.float32)
    return {"x": x, "quantization_choices": quantization_choices, "W": W, "b": b}


def reference(x, quantization_choices, W, b):
    # Eval-mode forward (deterministic): hard argmax one-hot instead of gumbel.
    B, S, Din = x.shape
    C, K = NUM_CODEBOOKS, NUM_ENTRIES
    D = quantization_choices.shape[1]
    logits_batch = x @ W.T + b  # [B, S, C*K]
    logits = logits_batch.reshape(B * S * C, K)
    idx = jnp.argmax(logits, axis=1)
    probs = jax.nn.one_hot(idx, K, dtype=logits.dtype)  # scatter value=1.0
    probs3 = probs.reshape(B * S, C, K)
    qc3 = quantization_choices.reshape(C, K, D)
    # equivalent to (probs[:, :, None] * choices).view(T, C, K, D).sum(dim=2)
    q = jnp.einsum('tck,ckd->tcd', probs3, qc3).reshape(B, S, C * D)
    logits_out = logits.reshape(B, S, C, K)
    return (q, logits_out)

if __name__ == "__main__":
    import jax
    _d = setup_inputs()
    print(jax.jit(kernel)(*tuple(_d.values())))

</pallas_src>

<mosaic_0001>
#map = affine_map<(d0, d1) -> (0, 0)>
module attributes {stable_mosaic.version = 14 : i64} {
  func.func @gather_kernel(%arg0: i32, %arg1: i32, %arg2: memref<1920x128xf32, #tpu.memory_space<hbm>>, %arg3: memref<1x49152xi32, #tpu.memory_space<hbm>>, %arg4: memref<49152x128xf32, #tpu.memory_space<hbm>>) attributes {dimension_semantics = [#tpu.dimension_semantics<core_parallel>, #tpu.dimension_semantics<subcore_parallel>], iteration_bounds = array<i64: 2, 16>, scalar_prefetch = 0 : i64, scratch_operands = 0 : i64, tpu.core_type = #tpu.core_type<sc_vector_subcore>, window_params = [{transform_indices = #map}, {transform_indices = #map}, {transform_indices = #map}]} {
    %mul3A = arith.constant 1 : i32
    %mul3A_0 = arith.muli %arg1, %mul3A : i32
    %add3A = arith.constant 0 : i32
    %add3A_1 = arith.addi %add3A, %mul3A_0 : i32
    %mul3A_2 = arith.constant 16 : i32
    %mul3A_3 = arith.muli %arg0, %mul3A_2 : i32
    %add3A_4 = arith.addi %add3A_1, %mul3A_3 : i32
    %mul3A_5 = arith.constant 6 : i32
    %mul3A_6 = arith.muli %add3A_4, %mul3A_5 : i32
    "tpu.region"() ({
      %run_scoped3A = memref.alloca() : memref<2x1x256xi32, #tpu.memory_space<vmem>>
      %run_scoped3A_7 = tpu.sem_alloc : memref<2x!tpu.dma_semaphore, #tpu.memory_space<semaphore_mem>>
      %run_scoped3A_8 = memref.alloca() : memref<2x256x128xf32, #tpu.memory_space<vmem>>
      %run_scoped3A_9 = tpu.sem_alloc : memref<2x!tpu.dma_semaphore, #tpu.memory_space<semaphore_mem>>
      %add3A_10 = arith.constant 0 : i32
      %add3A_11 = arith.addi %add3A_10, %mul3A_6 : i32
      %select_n3A = arith.constant true
      %select_n3A_12 = arith.constant 0 : i32
      %select_n3A_13 = arith.constant -1 : i32
      %select_n3A_14 = arith.select %select_n3A, %select_n3A_13, %select_n3A_12 : i32
      %eq3A = arith.constant -1 : i32
      %eq3A_15 = arith.cmpi eq, %select_n3A_14, %eq3A : i32
      %select_n3A_16 = arith.constant 5 : i32
      %select_n3A_17 = arith.select %eq3A_15, %select_n3A_16, %select_n3A_14 : i32
      %add3A_18 = arith.addi %select_n3A_17, %mul3A_6 : i32
      %select_n3A_19 = arith.constant true
      %select_n3A_20 = arith.constant 0 : i32
      %select_n3A_21 = arith.constant 1 : i32
      %select_n3A_22 = arith.select %select_n3A_19, %select_n3A_21, %select_n3A_20 : i32
      %eq3A_23 = arith.constant 6 : i32
      %eq3A_24 = arith.cmpi eq, %select_n3A_22, %eq3A_23 : i32
      %select_n3A_25 = arith.constant 0 : i32
      %select_n3A_26 = arith.select %eq3A_24, %select_n3A_25, %select_n3A_22 : i32
      %add3A_27 = arith.addi %select_n3A_26, %mul3A_6 : i32
      %add3A_28 = arith.constant 1 : i32
      %add3A_29 = arith.addi %select_n3A_26, %add3A_28 : i32
      %select_n3A_30 = arith.constant true
      %select_n3A_31 = arith.select %select_n3A_30, %add3A_29, %select_n3A_26 : i32
      %eq3A_32 = arith.constant 6 : i32
      %eq3A_33 = arith.cmpi eq, %select_n3A_31, %eq3A_32 : i32
      %select_n3A_34 = arith.constant 0 : i32
      %select_n3A_35 = arith.select %eq3A_33, %select_n3A_34, %select_n3A_31 : i32
      %add3A_36 = arith.addi %select_n3A_35, %mul3A_6 : i32
      "tpu.trace_start"() <{level = 10 : i32, message = "ep_initialize_0"}> : () -> ()
      %rem3A = arith.constant 0 : i32
      %rem3A_37 = arith.constant 2 : i32
      %rem3A_38 = arith.remui %rem3A, %rem3A_37 : i32
      %mul3A_39 = arith.constant 256 : i32
      %mul3A_40 = arith.muli %mul3A_39, %add3A_11 : i32
      %dma_start3A = arith.constant 0 : i32
      %dma_start3A_41 = arith.constant 0 : i32
      %dma_start3A_42 = tpu.memref_slice %run_scoped3A[%rem3A_38, %dma_start3A, %dma_start3A_41] : memref<2x1x256xi32, #tpu.memory_space<vmem>> -> memref<1x1x256xi32, #tpu.memory_space<vmem>>
      %dma_start3A_43 = tpu.memref_squeeze %dma_start3A_42 : memref<1x1x256xi32, #tpu.memory_space<vmem>> -> memref<1x256xi32, #tpu.memory_space<vmem>>
      %dma_start3A_44 = arith.constant 0 : i32
      %dma_start3A_45 = tpu.memref_slice %arg3[%dma_start3A_44, %mul3A_40] : memref<1x49152xi32, #tpu.memory_space<hbm>> -> memref<1x256xi32, #tpu.memory_space<hbm>>
      %dma_start3A_46 = tpu.memref_slice %run_scoped3A_7[%rem3A_38] : memref<2x!tpu.dma_semaphore, #tpu.memory_space<semaphore_mem>> -> memref<1x!tpu.dma_semaphore, #tpu.memory_space<semaphore_mem>>
      %dma_start3A_47 = tpu.memref_squeeze %dma_start3A_46 : memref<1x!tpu.dma_semaphore, #tpu.memory_space<semaphore_mem>> -> memref<!tpu.dma_semaphore, #tpu.memory_space<semaphore_mem>>
      %dma_start3A_48 = arith.constant 0 : i32
      %dma_start3A_49 = arith.constant 0 : i32
      %dma_start3A_50 = tpu.memref_slice %run_scoped3A[%rem3A_38, %dma_start3A_48, %dma_start3A_49] : memref<2x1x256xi32, #tpu.memory_space<vmem>> -> memref<1x1x256xi32, #tpu.memory_space<vmem>>
      %dma_start3A_51 = tpu.memref_squeeze %dma_start3A_50 : memref<1x1x256xi32, #tpu.memory_space<vmem>> -> memref<1x256xi32, #tpu.memory_space<vmem>>
      %dma_start3A_52 = arith.constant 0 : i32
      %dma_start3A_53 = tpu.memref_slice %arg3[%dma_start3A_52, %mul3A_40] : memref<1x49152xi32, #tpu.memory_space<hbm>> -> memref<1x256xi32, #tpu.memory_space<hbm>>
      tpu.enqueue_dma source(%dma_start3A_53 : memref<1x256xi32, #tpu.memory_space<hbm>>) target(%dma_start3A_51 : memref<1x256xi32, #tpu.memory_space<vmem>>) target_semaphore(%dma_start3A_47 : memref<!tpu.dma_semaphore, #tpu.memory_space<semaphore_mem>>)
      %add3A_54 = arith.constant 0 : i32
      %add3A_55 = arith.constant 1 : i32
      %add3A_56 = arith.addi %add3A_54, %add3A_55 : i32
      %select_n3A_57 = arith.constant true
      %select_n3A_58 = arith.constant 0 : i32
      %select_n3A_59 = arith.select %select_n3A_57, %add3A_56, %select_n3A_58 : i32
      "tpu.trace_stop"() : () -> ()
      %scan3A = arith.constant 0 : i32
      %scan3A_60 = arith.constant 0 : i32
      %scan3A_61 = arith.constant 0 : i32
      %scan3A_62 = arith.constant 0 : i32
      %scan3A_63 = arith.constant 0 : i32
      %scan3A_64 = arith.constant 6 : i32
      %scan3A_65 = arith.addi %scan3A_63, %scan3A_64 : i32
      %scan3A_66 = arith.constant 1 : i32
      %scan3A_67:5 = scf.for %scan3A_121 = %scan3A_63 to %scan3A_65 step %scan3A_66 iter_args(%scan3A_122 = %select_n3A_59, %scan3A_123 = %scan3A, %scan3A_124 = %scan3A_60, %scan3A_125 = %scan3A_61, %scan3A_126 = %scan3A_62) -> (i32, i32, i32, i32, i32)  : i32 {
        %eq3A_127 = arith.constant 0 : i32
        %eq3A_128 = arith.cmpi eq, %scan3A_121, %eq3A_127 : i32
        %eq3A_129 = arith.constant 5 : i32
        %eq3A_130 = arith.cmpi eq, %scan3A_121, %eq3A_129 : i32
        %add3A_131 = arith.addi %scan3A_126, %mul3A_6 : i32
        %sub3A_132 = arith.constant 1 : i32
        %sub3A_133 = arith.subi %scan3A_126, %sub3A_132 : i32
        %select_n3A_134 = arith.constant true
        %select_n3A_135 = arith.select %select_n3A_134, %sub3A_133, %scan3A_126 : i32
        %eq3A_136 = arith.constant -1 : i32
        %eq3A_137 = arith.cmpi eq, %select_n3A_135, %eq3A_136 : i32
        %select_n3A_138 = arith.constant 5 : i32
        %select_n3A_139 = arith.select %eq3A_137, %select_n3A_138, %select_n3A_135 : i32
        %add3A_140 = arith.addi %select_n3A_139, %mul3A_6 : i32
        %add3A_141 = arith.constant 1 : i32
        %add3A_142 = arith.addi %scan3A_126, %add3A_141 : i32
        %select_n3A_143 = arith.constant true
        %select_n3A_144 = arith.select %select_n3A_143, %add3A_142, %scan3A_126 : i32
        %eq3A_145 = arith.constant 6 : i32
        %eq3A_146 = arith.cmpi eq, %select_n3A_144, %eq3A_145 : i32
        %select_n3A_147 = arith.constant 0 : i32
        %select_n3A_148 = arith.select %eq3A_146, %select_n3A_147, %select_n3A_144 : i32
        %add3A_149 = arith.addi %select_n3A_148, %mul3A_6 : i32
        %add3A_150 = arith.constant 1 : i32
        %add3A_151 = arith.addi %select_n3A_148, %add3A_150 : i32
        %select_n3A_152 = arith.constant true
        %select_n3A_153 = arith.select %select_n3A_152, %add3A_151, %select_n3A_148 : i32
        %eq3A_154 = arith.constant 6 : i32
        %eq3A_155 = arith.cmpi eq, %select_n3A_153, %eq3A_154 : i32
        %select_n3A_156 = arith.constant 0 : i32
        %select_n3A_157 = arith.select %eq3A_155, %select_n3A_156, %select_n3A_153 : i32
        %add3A_158 = arith.addi %select_n3A_157, %mul3A_6 : i32
        %ne3A = arith.cmpi ne, %add3A_131, %add3A_149 : i32
        %or3A = arith.constant false
        %or3A_159 = arith.ori %or3A, %ne3A : i1
        %ge3A = arith.constant 5 : i32
        %ge3A_160 = arith.cmpi sge, %scan3A_121, %ge3A : i32
        %not3A = arith.constant true
        %not3A_161 = arith.xori %ge3A_160, %not3A : i1
        %and3A = arith.andi %or3A_159, %not3A_161 : i1
        %convert_element_type3A = arith.extui %and3A : i1 to i32
        %cond3A = arith.constant 0 : i32
        %cond3A_162 = arith.cmpi ne, %convert_element_type3A, %cond3A : i32
        scf.if %cond3A_162 {
          "tpu.trace_start"() <{level = 10 : i32, message = "ep_copy_in"}> : () -> ()
          %rem3A_264 = arith.constant 2 : i32
          %rem3A_265 = arith.remui %scan3A_122, %rem3A_264 : i32
          %mul3A_266 = arith.constant 256 : i32
          %mul3A_267 = arith.muli %mul3A_266, %add3A_149 : i32
          %dma_start3A_268 = arith.constant 0 : i32
          %dma_start3A_269 = arith.constant 0 : i32
          %dma_start3A_270 = tpu.memref_slice %run_scoped3A[%rem3A_265, %dma_start3A_268, %dma_start3A_269] : memref<2x1x256xi32, #tpu.memory_space<vmem>> -> memref<1x1x256xi32, #tpu.memory_space<vmem>>
          %dma_start3A_271 = tpu.memref_squeeze %dma_start3A_270 : memref<1x1x256xi32, #tpu.memory_space<vmem>> -> memref<1x256xi32, #tpu.memory_space<vmem>>
          %dma_start3A_272 = arith.constant 0 : i32
          %dma_start3A_273 = tpu.memref_slice %arg3[%dma_start3A_272, %mul3A_267] : memref<1x49152xi32, #tpu.memory_space<hbm>> -> memref<1x256xi32, #tpu.memory_space<hbm>>
          %dma_start3A_274 = tpu.memref_slice %run_scoped3A_7[%rem3A_265] : memref<2x!tpu.dma_semaphore, #tpu.memory_space<semaphore_mem>> -> memref<1x!tpu.dma_semaphore, #tpu.memory_space<semaphore_mem>>
          %dma_start3A_275 = tpu.memref_squeeze %dma_start3A_274 : memref<1x!tpu.dma_semaphore, #tpu.memory_space<semaphore_mem>> -> memref<!tpu.dma_semaphore, #tpu.memory_space<semaphore_mem>>
          %dma_start3A_276 = arith.constant 0 : i32
          %dma_start3A_277 = arith.constant 0 : i32
          %dma_start3A_278 = tpu.memref_slice %run_scoped3A[%rem3A_265, %dma_start3A_276, %dma_start3A_277] : memref<2x1x256xi32, #tpu.memory_space<vmem>> -> memref<1x1x256xi32, #tpu.memory_space<vmem>>
          %dma_start3A_279 = tpu.memref_squeeze %dma_start3A_278 : memref<1x1x256xi32, #tpu.memory_space<vmem>> -> memref<1x256xi32, #tpu.memory_space<vmem>>
          %dma_start3A_280 = arith.constant 0 : i32
          %dma_start3A_281 = tpu.memref_slice %arg3[%dma_start3A_280, %mul3A_267] : memref<1x49152xi32, #tpu.memory_space<hbm>> -> memref<1x256xi32, #tpu.memory_space<hbm>>
          tpu.enqueue_dma source(%dma_start3A_281 : memref<1x256xi32, #tpu.memory_space<hbm>>) target(%dma_start3A_279 : memref<1x256xi32, #tpu.memory_space<vmem>>) target_semaphore(%dma_start3A_275 : memref<!tpu.dma_semaphore, #tpu.memory_space<semaphore_mem>>)
          "tpu.trace_stop"() : () -> ()
        } else {
        }
        %and3A_163 = arith.constant true
        %and3A_164 = arith.andi %and3A, %and3A_163 : i1
        %add3A_165 = arith.constant 1 : i32
        %add3A_166 = arith.addi %scan3A_122, %add3A_165 : i32
        %select_n3A_167 = arith.select %and3A_164, %add3A_166, %scan3A_122 : i32
        %ne3A_168 = arith.cmpi ne, %add3A_131, %add3A_149 : i32
        %or3A_169 = arith.constant false
        %or3A_170 = arith.ori %or3A_169, %ne3A_168 : i1
        %or3A_171 = arith.constant false
        %or3A_172 = arith.ori %or3A_170, %or3A_171 : i1
        %ge3A_173 = arith.constant 5 : i32
        %ge3A_174 = arith.cmpi sge, %scan3A_121, %ge3A_173 : i32
        %not3A_175 = arith.constant true
        %not3A_176 = arith.xori %ge3A_174, %not3A_175 : i1
        %and3A_177 = arith.andi %or3A_172, %not3A_176 : i1
        %ne3A_178 = arith.cmpi ne, %add3A_131, %add3A_140 : i32
        %or3A_179 = arith.constant false
        %or3A_180 = arith.ori %or3A_179, %ne3A_178 : i1
        %or3A_181 = arith.ori %or3A_180, %eq3A_128 : i1
        %convert_element_type3A_182 = arith.extui %or3A_181 : i1 to i32
        %cond3A_183 = arith.constant 0 : i32
        %cond3A_184 = arith.cmpi ne, %convert_element_type3A_182, %cond3A_183 : i32
        scf.if %cond3A_184 {
          "tpu.trace_start"() <{level = 10 : i32, message = "ep_wait_in"}> : () -> ()
          %mul3A_264 = arith.constant 256 : i32
          %mul3A_265 = arith.muli %mul3A_264, %add3A_131 : i32
          %rem3A_266 = arith.constant 2 : i32
          %rem3A_267 = arith.remui %scan3A_123, %rem3A_266 : i32
          %dma_wait3A_268 = arith.constant 0 : i32
          %dma_wait3A_269 = arith.constant 0 : i32
          %dma_wait3A_270 = tpu.memref_slice %run_scoped3A[%rem3A_267, %dma_wait3A_268, %dma_wait3A_269] : memref<2x1x256xi32, #tpu.memory_space<vmem>> -> memref<1x1x256xi32, #tpu.memory_space<vmem>>
          %dma_wait3A_271 = tpu.memref_squeeze %dma_wait3A_270 : memref<1x1x256xi32, #tpu.memory_space<vmem>> -> memref<1x256xi32, #tpu.memory_space<vmem>>
          %dma_wait3A_272 = arith.constant 0 : i32
          %dma_wait3A_273 = tpu.memref_slice %arg3[%dma_wait3A_272, %mul3A_265] : memref<1x49152xi32, #tpu.memory_space<hbm>> -> memref<1x256xi32, #tpu.memory_space<hbm>>
          %dma_wait3A_274 = tpu.memref_slice %run_scoped3A_7[%rem3A_267] : memref<2x!tpu.dma_semaphore, #tpu.memory_space<semaphore_mem>> -> memref<1x!tpu.dma_semaphore, #tpu.memory_space<semaphore_mem>>
          %dma_wait3A_275 = tpu.memref_squeeze %dma_wait3A_274 : memref<1x!tpu.dma_semaphore, #tpu.memory_space<semaphore_mem>> -> memref<!tpu.dma_semaphore, #tpu.memory_space<semaphore_mem>>
          %dma_wait3A_276 = arith.constant 0 : i32
          %dma_wait3A_277 = arith.constant 0 : i32
          %dma_wait3A_278 = tpu.memref_slice %run_scoped3A[%rem3A_267, %dma_wait3A_276, %dma_wait3A_277] : memref<2x1x256xi32, #tpu.memory_space<vmem>> -> memref<1x1x256xi32, #tpu.memory_space<vmem>>
          %dma_wait3A_279 = tpu.memref_squeeze %dma_wait3A_278 : memref<1x1x256xi32, #tpu.memory_space<vmem>> -> memref<1x256xi32, #tpu.memory_space<vmem>>
          %dma_wait3A_280 = arith.constant 0 : i32
          %dma_wait3A_281 = tpu.memref_slice %arg3[%dma_wait3A_280, %mul3A_265] : memref<1x49152xi32, #tpu.memory_space<hbm>> -> memref<1x256xi32, #tpu.memory_space<hbm>>
          tpu.wait_dma2 semaphore(%dma_wait3A_275 : memref<!tpu.dma_semaphore, #tpu.memory_space<semaphore_mem>>) src(%dma_wait3A_281 : memref<1x256xi32, #tpu.memory_space<hbm>>) dst(%dma_wait3A_279 : memref<1x256xi32, #tpu.memory_space<vmem>>)
          "tpu.trace_stop"() : () -> ()
        } else {
        }
        %ne3A_185 = arith.cmpi ne, %add3A_131, %add3A_140 : i32
        %or3A_186 = arith.constant false
        %or3A_187 = arith.ori %or3A_186, %ne3A_185 : i1
        %or3A_188 = arith.constant false
        %or3A_189 = arith.ori %or3A_187, %or3A_188 : i1
        %or3A_190 = arith.ori %or3A_189, %eq3A_128 : i1
        %convert_element_type3A_191 = arith.extui %or3A_190 : i1 to i32
        %cond3A_192 = arith.constant 0 : i32
        %cond3A_193 = arith.cmpi ne, %convert_element_type3A_191, %cond3A_192 : i32
        scf.if %cond3A_193 {
        } else {
        }
        %rem3A_194 = arith.constant 2 : i32
        %rem3A_195 = arith.remui %scan3A_123, %rem3A_194 : i32
        %rem3A_196 = arith.constant 2 : i32
        %rem3A_197 = arith.remui %scan3A_124, %rem3A_196 : i32
        %run_scoped3A_198 = arith.constant 0 : i32
        "tpu.trace_start"() <{level = 10 : i32, message = "ep_run_kernel"}> : () -> ()
        "tpu.region"() ({
          %run_scoped3A_264 = tpu.sem_alloc : memref<!tpu.dma_semaphore, #tpu.memory_space<semaphore_mem>>
          %dma_start3A_265 = arith.constant 0 : i32
          %dma_start3A_266 = arith.constant 0 : i32
          %dma_start3A_267 = tpu.memref_slice %run_scoped3A_8[%rem3A_197, %dma_start3A_265, %dma_start3A_266] : memref<2x256x128xf32, #tpu.memory_space<vmem>> -> memref<1x256x128xf32, #tpu.memory_space<vmem>>
          %dma_start3A_268 = tpu.memref_squeeze %dma_start3A_267 : memref<1x256x128xf32, #tpu.memory_space<vmem>> -> memref<256x128xf32, #tpu.memory_space<vmem>>
          %dma_start3A_269 = arith.constant 0 : i32
          %dma_start3A_270 = arith.constant 0 : i32
          %dma_start3A_271 = tpu.memref_slice %run_scoped3A[%rem3A_195, %dma_start3A_269, %dma_start3A_270] : memref<2x1x256xi32, #tpu.memory_space<vmem>> -> memref<1x1x256xi32, #tpu.memory_space<vmem>>
          %dma_start3A_272 = tpu.memref_squeeze %dma_start3A_271 : memref<1x1x256xi32, #tpu.memory_space<vmem>> -> memref<1x256xi32, #tpu.memory_space<vmem>>
          %dma_start3A_273 = arith.constant 0 : i32
          %dma_start3A_274 = tpu.memref_slice %dma_start3A_272[%run_scoped3A_198, %dma_start3A_273] : memref<1x256xi32, #tpu.memory_space<vmem>> -> memref<1x256xi32, #tpu.memory_space<vmem>>
          %dma_start3A_275 = tpu.memref_squeeze %dma_start3A_274 : memref<1x256xi32, #tpu.memory_space<vmem>> -> memref<256xi32, #tpu.memory_space<vmem>>
          %dma_start3A_276 = arith.constant 0 : i32
          %dma_start3A_277 = arith.constant 0 : i32
          %dma_start3A_278 = tpu.memref_slice %arg2[%dma_start3A_276, %dma_start3A_277] : memref<1920x128xf32, #tpu.memory_space<hbm>> -> memref<1920x128xf32, #tpu.memory_space<hbm>>
          tpu.enqueue_indirect_dma source(%dma_start3A_278 : memref<1920x128xf32, #tpu.memory_space<hbm>>) target(%dma_start3A_268 : memref<256x128xf32, #tpu.memory_space<vmem>>) offsets(%dma_start3A_275 : memref<256xi32, #tpu.memory_space<vmem>>) semaphore(%run_scoped3A_264 : memref<!tpu.dma_semaphore, #tpu.memory_space<semaphore_mem>>)
          %dma_wait3A_279 = arith.constant 0 : i32
          %dma_wait3A_280 = arith.constant 0 : i32
          %dma_wait3A_281 = tpu.memref_slice %run_scoped3A_8[%rem3A_197, %dma_wait3A_279, %dma_wait3A_280] : memref<2x256x128xf32, #tpu.memory_space<vmem>> -> memref<1x256x128xf32, #tpu.memory_space<vmem>>
          %dma_wait3A_282 = tpu.memref_squeeze %dma_wait3A_281 : memref<1x256x128xf32, #tpu.memory_space<vmem>> -> memref<256x128xf32, #tpu.memory_space<vmem>>
          %dma_wait3A_283 = arith.constant 0 : i32
          %dma_wait3A_284 = arith.constant 0 : i32
          %dma_wait3A_285 = tpu.memref_slice %run_scoped3A[%rem3A_195, %dma_wait3A_283, %dma_wait3A_284] : memref<2x1x256xi32, #tpu.memory_space<vmem>> -> memref<1x1x256xi32, #tpu.memory_space<vmem>>
          %dma_wait3A_286 = tpu.memref_squeeze %dma_wait3A_285 : memref<1x1x256xi32, #tpu.memory_space<vmem>> -> memref<1x256xi32, #tpu.memory_space<vmem>>
          %dma_wait3A_287 = arith.constant 0 : i32
          %dma_wait3A_288 = tpu.memref_slice %dma_wait3A_286[%run_scoped3A_198, %dma_wait3A_287] : memref<1x256xi32, #tpu.memory_space<vmem>> -> memref<1x256xi32, #tpu.memory_space<vmem>>
          %dma_wait3A_289 = tpu.memref_squeeze %dma_wait3A_288 : memref<1x256xi32, #tpu.memory_space<vmem>> -> memref<256xi32, #tpu.memory_space<vmem>>
          %dma_wait3A_290 = arith.constant 0 : i32
          %dma_wait3A_291 = arith.constant 0 : i32
          %dma_wait3A_292 = tpu.memref_slice %arg2[%dma_wait3A_290, %dma_wait3A_291] : memref<1920x128xf32, #tpu.memory_space<hbm>> -> memref<1920x128xf32, #tpu.memory_space<hbm>>
          tpu.wait_indirect_dma semaphore(%run_scoped3A_264 : memref<!tpu.dma_semaphore, #tpu.memory_space<semaphore_mem>>) src(%dma_wait3A_292 : memref<1920x128xf32, #tpu.memory_space<hbm>>) dst(%dma_wait3A_282 : memref<256x128xf32, #tpu.memory_space<vmem>>)
          tpu.yield
        }) : () -> ()
        "tpu.trace_stop"() : () -> ()
        %ne3A_199 = arith.cmpi ne, %add3A_131, %add3A_149 : i32
        %or3A_200 = arith.constant false
        %or3A_201 = arith.ori %or3A_200, %ne3A_199 : i1
        %or3A_202 = arith.ori %or3A_201, %eq3A_130 : i1
        %convert_element_type3A_203 = arith.extui %or3A_202 : i1 to i32
        %cond3A_204 = arith.constant 0 : i32
        %cond3A_205 = arith.cmpi ne, %convert_element_type3A_203, %cond3A_204 : i32
        scf.if %cond3A_205 {
        } else {
        }
        %and3A_206 = arith.constant false
        %and3A_207 = arith.andi %or3A_202, %and3A_206 : i1
        %ne3A_208 = arith.cmpi ne, %add3A_131, %add3A_149 : i32
        %or3A_209 = arith.constant false
        %or3A_210 = arith.ori %or3A_209, %ne3A_208 : i1
        %or3A_211 = arith.constant false
        %or3A_212 = arith.ori %or3A_210, %or3A_211 : i1
        %or3A_213 = arith.ori %or3A_212, %eq3A_130 : i1
        %convert_element_type3A_214 = arith.extui %or3A_213 : i1 to i32
        %cond3A_215 = arith.constant 0 : i32
        %cond3A_216 = arith.cmpi ne, %convert_element_type3A_214, %cond3A_215 : i32
        scf.if %cond3A_216 {
          "tpu.trace_start"() <{level = 10 : i32, message = "ep_copy_out"}> : () -> ()
          %rem3A_264 = arith.constant 2 : i32
          %rem3A_265 = arith.remui %scan3A_124, %rem3A_264 : i32
          %mul3A_266 = arith.constant 256 : i32
          %mul3A_267 = arith.muli %mul3A_266, %add3A_131 : i32
          %dma_start3A_268 = arith.constant 0 : i32
          %dma_start3A_269 = arith.constant 0 : i32
          %dma_start3A_270 = tpu.memref_slice %run_scoped3A_8[%rem3A_265, %dma_start3A_268, %dma_start3A_269] : memref<2x256x128xf32, #tpu.memory_space<vmem>> -> memref<1x256x128xf32, #tpu.memory_space<vmem>>
          %dma_start3A_271 = tpu.memref_squeeze %dma_start3A_270 : memref<1x256x128xf32, #tpu.memory_space<vmem>> -> memref<256x128xf32, #tpu.memory_space<vmem>>
          %dma_start3A_272 = arith.constant 0 : i32
          %dma_start3A_273 = tpu.memref_slice %arg4[%mul3A_267, %dma_start3A_272] : memref<49152x128xf32, #tpu.memory_space<hbm>> -> memref<256x128xf32, #tpu.memory_space<hbm>>
          %dma_start3A_274 = tpu.memref_slice %run_scoped3A_9[%rem3A_265] : memref<2x!tpu.dma_semaphore, #tpu.memory_space<semaphore_mem>> -> memref<1x!tpu.dma_semaphore, #tpu.memory_space<semaphore_mem>>
          %dma_start3A_275 = tpu.memref_squeeze %dma_start3A_274 : memref<1x!tpu.dma_semaphore, #tpu.memory_space<semaphore_mem>> -> memref<!tpu.dma_semaphore, #tpu.memory_space<semaphore_mem>>
          %dma_start3A_276 = arith.constant 0 : i32
          %dma_start3A_277 = tpu.memref_slice %arg4[%mul3A_267, %dma_start3A_276] : memref<49152x128xf32, #tpu.memory_space<hbm>> -> memref<256x128xf32, #tpu.memory_space<hbm>>
          %dma_start3A_278 = arith.constant 0 : i32
          %dma_start3A_279 = arith.constant 0 : i32
          %dma_start3A_280 = tpu.memref_slice %run_scoped3A_8[%rem3A_265, %dma_start3A_278, %dma_start3A_279] : memref<2x256x128xf32, #tpu.memory_space<vmem>> -> memref<1x256x128xf32, #tpu.memory_space<vmem>>
          %dma_start3A_281 = tpu.memref_squeeze %dma_start3A_280 : memref<1x256x128xf32, #tpu.memory_space<vmem>> -> memref<256x128xf32, #tpu.memory_space<vmem>>
          tpu.enqueue_dma source(%dma_start3A_281 : memref<256x128xf32, #tpu.memory_space<vmem>>) target(%dma_start3A_277 : memref<256x128xf32, #tpu.memory_space<hbm>>) target_semaphore(%dma_start3A_275 : memref<!tpu.dma_semaphore, #tpu.memory_space<semaphore_mem>>)
          "tpu.trace_stop"() : () -> ()
        } else {
        }
        %and3A_217 = arith.constant true
        %and3A_218 = arith.andi %or3A_213, %and3A_217 : i1
        %add3A_219 = arith.constant 1 : i32
        %add3A_220 = arith.addi %scan3A_124, %add3A_219 : i32
        %select_n3A_221 = arith.select %and3A_218, %add3A_220, %scan3A_124 : i32
        %ne3A_222 = arith.cmpi ne, %add3A_131, %add3A_140 : i32
        %or3A_223 = arith.constant false
        %or3A_224 = arith.ori %or3A_223, %ne3A_222 : i1
        %not3A_225 = arith.constant true
        %not3A_226 = arith.xori %eq3A_128, %not3A_225 : i1
        %and3A_227 = arith.andi %or3A_224, %not3A_226 : i1
        %convert_element_type3A_228 = arith.extui %and3A_227 : i1 to i32
        %cond3A_229 = arith.constant 0 : i32
        %cond3A_230 = arith.cmpi ne, %convert_element_type3A_228, %cond3A_229 : i32
        scf.if %cond3A_230 {
        } else {
        }
        %and3A_231 = arith.constant false
        %and3A_232 = arith.andi %and3A_227, %and3A_231 : i1
        %ne3A_233 = arith.cmpi ne, %add3A_131, %add3A_140 : i32
        %or3A_234 = arith.constant false
        %or3A_235 = arith.ori %or3A_234, %ne3A_233 : i1
        %or3A_236 = arith.constant false
        %or3A_237 = arith.ori %or3A_235, %or3A_236 : i1
        %not3A_238 = arith.constant true
        %not3A_239 = arith.xori %eq3A_128, %not3A_238 : i1
        %and3A_240 = arith.andi %or3A_237, %not3A_239 : i1
        %convert_element_type3A_241 = arith.extui %and3A_240 : i1 to i32
        %cond3A_242 = arith.constant 0 : i32
        %cond3A_243 = arith.cmpi ne, %convert_element_type3A_241, %cond3A_242 : i32
        scf.if %cond3A_243 {
          "tpu.trace_start"() <{level = 10 : i32, message = "ep_wait_out"}> : () -> ()
          %rem3A_264 = arith.constant 2 : i32
          %rem3A_265 = arith.remui %scan3A_125, %rem3A_264 : i32
          %mul3A_266 = arith.constant 256 : i32
          %mul3A_267 = arith.muli %mul3A_266, %add3A_140 : i32
          %dma_wait3A_268 = arith.constant 0 : i32
          %dma_wait3A_269 = arith.constant 0 : i32
          %dma_wait3A_270 = tpu.memref_slice %run_scoped3A_8[%rem3A_265, %dma_wait3A_268, %dma_wait3A_269] : memref<2x256x128xf32, #tpu.memory_space<vmem>> -> memref<1x256x128xf32, #tpu.memory_space<vmem>>
          %dma_wait3A_271 = tpu.memref_squeeze %dma_wait3A_270 : memref<1x256x128xf32, #tpu.memory_space<vmem>> -> memref<256x128xf32, #tpu.memory_space<vmem>>
          %dma_wait3A_272 = arith.constant 0 : i32
          %dma_wait3A_273 = tpu.memref_slice %arg4[%mul3A_267, %dma_wait3A_272] : memref<49152x128xf32, #tpu.memory_space<hbm>> -> memref<256x128xf32, #tpu.memory_space<hbm>>
          %dma_wait3A_274 = tpu.memref_slice %run_scoped3A_9[%rem3A_265] : memref<2x!tpu.dma_semaphore, #tpu.memory_space<semaphore_mem>> -> memref<1x!tpu.dma_semaphore, #tpu.memory_space<semaphore_mem>>
          %dma_wait3A_275 = tpu.memref_squeeze %dma_wait3A_274 : memref<1x!tpu.dma_semaphore, #tpu.memory_space<semaphore_mem>> -> memref<!tpu.dma_semaphore, #tpu.memory_space<semaphore_mem>>
          %dma_wait3A_276 = arith.constant 0 : i32
          %dma_wait3A_277 = tpu.memref_slice %arg4[%mul3A_267, %dma_wait3A_276] : memref<49152x128xf32, #tpu.memory_space<hbm>> -> memref<256x128xf32, #tpu.memory_space<hbm>>
          %dma_wait3A_278 = arith.constant 0 : i32
          %dma_wait3A_279 = arith.constant 0 : i32
          %dma_wait3A_280 = tpu.memref_slice %run_scoped3A_8[%rem3A_265, %dma_wait3A_278, %dma_wait3A_279] : memref<2x256x128xf32, #tpu.memory_space<vmem>> -> memref<1x256x128xf32, #tpu.memory_space<vmem>>
          %dma_wait3A_281 = tpu.memref_squeeze %dma_wait3A_280 : memref<1x256x128xf32, #tpu.memory_space<vmem>> -> memref<256x128xf32, #tpu.memory_space<vmem>>
          tpu.wait_dma2 semaphore(%dma_wait3A_275 : memref<!tpu.dma_semaphore, #tpu.memory_space<semaphore_mem>>) src(%dma_wait3A_281 : memref<256x128xf32, #tpu.memory_space<vmem>>) dst(%dma_wait3A_277 : memref<256x128xf32, #tpu.memory_space<hbm>>)
          "tpu.trace_stop"() : () -> ()
        } else {
        }
        %and3A_244 = arith.constant true
        %and3A_245 = arith.andi %and3A_240, %and3A_244 : i1
        %add3A_246 = arith.constant 1 : i32
        %add3A_247 = arith.addi %scan3A_125, %add3A_246 : i32
        %select_n3A_248 = arith.select %and3A_245, %add3A_247, %scan3A_125 : i32
        %ne3A_249 = arith.cmpi ne, %add3A_131, %add3A_149 : i32
        %or3A_250 = arith.constant false
        %or3A_251 = arith.ori %or3A_250, %ne3A_249 : i1
        %or3A_252 = arith.ori %or3A_251, %eq3A_130 : i1
        %add3A_253 = arith.constant 1 : i32
        %add3A_254 = arith.addi %scan3A_123, %add3A_253 : i32
        %select_n3A_255 = arith.select %or3A_252, %add3A_254, %scan3A_123 : i32
        %add3A_256 = arith.constant 1 : i32
        %add3A_257 = arith.addi %scan3A_126, %add3A_256 : i32
        %select_n3A_258 = arith.constant true
        %select_n3A_259 = arith.select %select_n3A_258, %add3A_257, %scan3A_126 : i32
        %eq3A_260 = arith.constant 6 : i32
        %eq3A_261 = arith.cmpi eq, %select_n3A_259, %eq3A_260 : i32
        %select_n3A_262 = arith.constant 0 : i32
        %select_n3A_263 = arith.select %eq3A_261, %select_n3A_262, %select_n3A_259 : i32
        scf.yield %select_n3A_167, %select_n3A_255, %select_n3A_221, %select_n3A_248, %select_n3A_263 : i32, i32, i32, i32, i32
      }
      %scan3A_68 = arith.constant 6 : i32
      %sub3A = arith.constant 1 : i32
      %sub3A_69 = arith.subi %scan3A_67#4, %sub3A : i32
      %select_n3A_70 = arith.constant true
      %select_n3A_71 = arith.select %select_n3A_70, %sub3A_69, %scan3A_67#4 : i32
      %eq3A_72 = arith.constant -1 : i32
      %eq3A_73 = arith.cmpi eq, %select_n3A_71, %eq3A_72 : i32
      %select_n3A_74 = arith.constant 5 : i32
      %select_n3A_75 = arith.select %eq3A_73, %select_n3A_74, %select_n3A_71 : i32
      %add3A_76 = arith.addi %select_n3A_75, %mul3A_6 : i32
      %sub3A_77 = arith.constant 1 : i32
      %sub3A_78 = arith.subi %select_n3A_75, %sub3A_77 : i32
      %select_n3A_79 = arith.constant true
      %select_n3A_80 = arith.select %select_n3A_79, %sub3A_78, %select_n3A_75 : i32
      %eq3A_81 = arith.constant -1 : i32
      %eq3A_82 = arith.cmpi eq, %select_n3A_80, %eq3A_81 : i32
      %select_n3A_83 = arith.constant 5 : i32
      %select_n3A_84 = arith.select %eq3A_82, %select_n3A_83, %select_n3A_80 : i32
      %add3A_85 = arith.addi %select_n3A_84, %mul3A_6 : i32
      %add3A_86 = arith.constant 1 : i32
      %add3A_87 = arith.addi %select_n3A_75, %add3A_86 : i32
      %select_n3A_88 = arith.constant true
      %select_n3A_89 = arith.select %select_n3A_88, %add3A_87, %select_n3A_75 : i32
      %eq3A_90 = arith.constant 6 : i32
      %eq3A_91 = arith.cmpi eq, %select_n3A_89, %eq3A_90 : i32
      %select_n3A_92 = arith.constant 0 : i32
      %select_n3A_93 = arith.select %eq3A_91, %select_n3A_92, %select_n3A_89 : i32
      %add3A_94 = arith.addi %select_n3A_93, %mul3A_6 : i32
      %add3A_95 = arith.constant 1 : i32
      %add3A_96 = arith.addi %select_n3A_93, %add3A_95 : i32
      %select_n3A_97 = arith.constant true
      %select_n3A_98 = arith.select %select_n3A_97, %add3A_96, %select_n3A_93 : i32
      %eq3A_99 = arith.constant 6 : i32
      %eq3A_100 = arith.cmpi eq, %select_n3A_98, %eq3A_99 : i32
      %select_n3A_101 = arith.constant 0 : i32
      %select_n3A_102 = arith.select %eq3A_100, %select_n3A_101, %select_n3A_98 : i32
      %add3A_103 = arith.addi %select_n3A_102, %mul3A_6 : i32
      "tpu.trace_start"() <{level = 10 : i32, message = "ep_finalize"}> : () -> ()
      %rem3A_104 = arith.constant 2 : i32
      %rem3A_105 = arith.remui %scan3A_67#3, %rem3A_104 : i32
      %mul3A_106 = arith.constant 256 : i32
      %mul3A_107 = arith.muli %mul3A_106, %add3A_76 : i32
      %dma_wait3A = arith.constant 0 : i32
      %dma_wait3A_108 = arith.constant 0 : i32
      %dma_wait3A_109 = tpu.memref_slice %run_scoped3A_8[%rem3A_105, %dma_wait3A, %dma_wait3A_108] : memref<2x256x128xf32, #tpu.memory_space<vmem>> -> memref<1x256x128xf32, #tpu.memory_space<vmem>>
      %dma_wait3A_110 = tpu.memref_squeeze %dma_wait3A_109 : memref<1x256x128xf32, #tpu.memory_space<vmem>> -> memref<256x128xf32, #tpu.memory_space<vmem>>
      %dma_wait3A_111 = arith.constant 0 : i32
      %dma_wait3A_112 = tpu.memref_slice %arg4[%mul3A_107, %dma_wait3A_111] : memref<49152x128xf32, #tpu.memory_space<hbm>> -> memref<256x128xf32, #tpu.memory_space<hbm>>
      %dma_wait3A_113 = tpu.memref_slice %run_scoped3A_9[%rem3A_105] : memref<2x!tpu.dma_semaphore, #tpu.memory_space<semaphore_mem>> -> memref<1x!tpu.dma_semaphore, #tpu.memory_space<semaphore_mem>>
      %dma_wait3A_114 = tpu.memref_squeeze %dma_wait3A_113 : memref<1x!tpu.dma_semaphore, #tpu.memory_space<semaphore_mem>> -> memref<!tpu.dma_semaphore, #tpu.memory_space<semaphore_mem>>
      %dma_wait3A_115 = arith.constant 0 : i32
      %dma_wait3A_116 = tpu.memref_slice %arg4[%mul3A_107, %dma_wait3A_115] : memref<49152x128xf32, #tpu.memory_space<hbm>> -> memref<256x128xf32, #tpu.memory_space<hbm>>
      %dma_wait3A_117 = arith.constant 0 : i32
      %dma_wait3A_118 = arith.constant 0 : i32
      %dma_wait3A_119 = tpu.memref_slice %run_scoped3A_8[%rem3A_105, %dma_wait3A_117, %dma_wait3A_118] : memref<2x256x128xf32, #tpu.memory_space<vmem>> -> memref<1x256x128xf32, #tpu.memory_space<vmem>>
      %dma_wait3A_120 = tpu.memref_squeeze %dma_wait3A_119 : memref<1x256x128xf32, #tpu.memory_space<vmem>> -> memref<256x128xf32, #tpu.memory_space<vmem>>
      tpu.wait_dma2 semaphore(%dma_wait3A_114 : memref<!tpu.dma_semaphore, #tpu.memory_space<semaphore_mem>>) src(%dma_wait3A_120 : memref<256x128xf32, #tpu.memory_space<vmem>>) dst(%dma_wait3A_116 : memref<256x128xf32, #tpu.memory_space<hbm>>)
      "tpu.trace_stop"() : () -> ()
      tpu.yield
    }) : () -> ()
    return
  }
}

module attributes {stable_mosaic.version = 14 : i64} {
  func.func @_logits_argmax_body(%arg0: i32, %arg1: memref<1024x768xf32, #tpu.memory_space<vmem>>, %arg2: memref<768x320xbf16, #tpu.memory_space<vmem>>, %arg3: memref<768x320xbf16, #tpu.memory_space<vmem>>, %arg4: memref<1x2x320xf32, #tpu.memory_space<vmem>>, %arg5: memref<1024x2x320xf32, #tpu.memory_space<vmem>>, %arg6: memref<2x1024xi32, #tpu.memory_space<vmem>>) attributes {dimension_semantics = [#tpu.dimension_semantics<arbitrary>], iteration_bounds = array<i64: 8>, scalar_prefetch = 0 : i64, scratch_operands = 0 : i64, tpu.core_type = #tpu.core_type<tc>, window_params = [{transform_indices = @transform_0, window_bounds = array<i64: 1024, 768>}, {pipeline_mode = #tpu.pipeline_mode<synchronous>, transform_indices = @transform_1, window_bounds = array<i64: 768, 320>}, {pipeline_mode = #tpu.pipeline_mode<synchronous>, transform_indices = @transform_2, window_bounds = array<i64: 768, 320>}, {pipeline_mode = #tpu.pipeline_mode<synchronous>, transform_indices = @transform_3, window_bounds = array<i64: 1, 2, 320>}, {transform_indices = @transform_4, window_bounds = array<i64: 1024, 2, 320>}, {transform_indices = @transform_5, window_bounds = array<i64: 2, 1024>}]} {
    %get3A = arith.constant 0 : index
    %get3A_0 = arith.constant 0 : index
    %get3A_1 = vector.load %arg1[%get3A, %get3A_0] : memref<1024x768xf32, #tpu.memory_space<vmem>>, vector<1024x768xf32>
    %convert_element_type3A = arith.truncf %get3A_1 : vector<1024x768xf32> to vector<1024x768xbf16>
    %get3A_2 = arith.constant 0 : index
    %get3A_3 = arith.constant 0 : index
    %get3A_4 = vector.load %arg2[%get3A_2, %get3A_3] : memref<768x320xbf16, #tpu.memory_space<vmem>>, vector<768x320xbf16>
    %dot_general3A = arith.constant dense<0.000000e+00> : vector<1024x320xf32>
    %dot_general3A_5 = tpu.matmul %convert_element_type3A, %get3A_4, %dot_general3A {dimension_numbers = #tpu.dot_dimension_numbers<[1], [0], [0], [1], [0, 0, 1, 1], [], []>, transpose_lhs_hint = false} : vector<1024x768xbf16>, vector<768x320xbf16>, vector<1024x320xf32> -> vector<1024x320xf32>
    %get3A_6 = arith.constant 0 : index
    %get3A_7 = arith.constant 0 : index
    %get3A_8 = vector.load %arg3[%get3A_6, %get3A_7] : memref<768x320xbf16, #tpu.memory_space<vmem>>, vector<768x320xbf16>
    %dot_general3A_9 = arith.constant dense<0.000000e+00> : vector<1024x320xf32>
    %dot_general3A_10 = tpu.matmul %convert_element_type3A, %get3A_8, %dot_general3A_9 {dimension_numbers = #tpu.dot_dimension_numbers<[1], [0], [0], [1], [0, 0, 1, 1], [], []>, transpose_lhs_hint = false} : vector<1024x768xbf16>, vector<768x320xbf16>, vector<1024x320xf32> -> vector<1024x320xf32>
    %get3A_11 = arith.constant 0 : index
    %get3A_12 = arith.constant 0 : index
    %get3A_13 = arith.constant 0 : index
    %get3A_14 = vector.load %arg4[%get3A_11, %get3A_12, %get3A_13] : memref<1x2x320xf32, #tpu.memory_space<vmem>>, vector<1x1x320xf32>
    %get3A_15 = vector.shape_cast %get3A_14 : vector<1x1x320xf32> to vector<320xf32>
    %broadcast_in_dim3A = vector.shape_cast %get3A_15 : vector<320xf32> to vector<1x320xf32>
    %add3A = vector.broadcast %broadcast_in_dim3A : vector<1x320xf32> to vector<1024x320xf32>
    %add3A_16 = arith.addf %dot_general3A_5, %add3A : vector<1024x320xf32>
    %get3A_17 = arith.constant 0 : index
    %get3A_18 = arith.constant 1 : index
    %get3A_19 = arith.constant 0 : index
    %get3A_20 = vector.load %arg4[%get3A_17, %get3A_18, %get3A_19] : memref<1x2x320xf32, #tpu.memory_space<vmem>>, vector<1x1x320xf32>
    %get3A_21 = vector.shape_cast %get3A_20 : vector<1x1x320xf32> to vector<320xf32>
    %broadcast_in_dim3A_22 = vector.shape_cast %get3A_21 : vector<320xf32> to vector<1x320xf32>
    %add3A_23 = vector.broadcast %broadcast_in_dim3A_22 : vector<1x320xf32> to vector<1024x320xf32>
    %add3A_24 = arith.addf %dot_general3A_10, %add3A_23 : vector<1024x320xf32>
    %swap3A = arith.constant 0 : index
    %swap3A_25 = arith.constant 0 : index
    %swap3A_26 = arith.constant 0 : index
    %swap3A_27 = vector.load %arg5[%swap3A, %swap3A_25, %swap3A_26] : memref<1024x2x320xf32, #tpu.memory_space<vmem>>, vector<1024x1x320xf32>
    %swap3A_28 = vector.shape_cast %swap3A_27 : vector<1024x1x320xf32> to vector<1024x320xf32>
    %swap3A_29 = vector.shape_cast %add3A_16 : vector<1024x320xf32> to vector<1024x1x320xf32>
    tpu.vector_store %arg5[%swap3A, %swap3A_25, %swap3A_26], %swap3A_29 {strides = array<i32>} : memref<1024x2x320xf32, #tpu.memory_space<vmem>>, vector<1024x1x320xf32>,
    %swap3A_30 = arith.constant 0 : index
    %swap3A_31 = arith.constant 1 : index
    %swap3A_32 = arith.constant 0 : index
    %swap3A_33 = vector.load %arg5[%swap3A_30, %swap3A_31, %swap3A_32] : memref<1024x2x320xf32, #tpu.memory_space<vmem>>, vector<1024x1x320xf32>
    %swap3A_34 = vector.shape_cast %swap3A_33 : vector<1024x1x320xf32> to vector<1024x320xf32>
    %swap3A_35 = vector.shape_cast %add3A_24 : vector<1024x320xf32> to vector<1024x1x320xf32>
    tpu.vector_store %arg5[%swap3A_30, %swap3A_31, %swap3A_32], %swap3A_35 {strides = array<i32>} : memref<1024x2x320xf32, #tpu.memory_space<vmem>>, vector<1024x1x320xf32>,
    %iota3A = tpu.iota {dimensions = array<i32: 1>} : vector<1024x320xi32>
    %convert_element_type3A_36 = arith.sitofp %iota3A : vector<1024x320xi32> to vector<1024x320xf32>
    %reduce_max3A = arith.constant dense<0xFF800000> : vector<1024xf32>
    %reduce_max3A_37 = vector.multi_reduction <maximumf>, %add3A_16, %reduce_max3A [1] : vector<1024x320xf32> to vector<1024xf32>
    %broadcast_in_dim3A_38 = vector.shape_cast %reduce_max3A_37 : vector<1024xf32> to vector<1024x1xf32>
    %reduce_max3A_39 = arith.constant dense<0xFF800000> : vector<1024xf32>
    %reduce_max3A_40 = vector.multi_reduction <maximumf>, %add3A_24, %reduce_max3A_39 [1] : vector<1024x320xf32> to vector<1024xf32>
    %broadcast_in_dim3A_41 = vector.shape_cast %reduce_max3A_40 : vector<1024xf32> to vector<1024x1xf32>
    %eq3A = vector.broadcast %broadcast_in_dim3A_38 : vector<1024x1xf32> to vector<1024x320xf32>
    %eq3A_42 = arith.cmpf oeq, %add3A_16, %eq3A : vector<1024x320xf32>
    %jit3A = arith.constant 6.400000e+02 : f32
    %broadcast_in_dim3A_43 = vector.broadcast %jit3A : f32 to vector<1024x320xf32>
    %select_n3A = arith.select %eq3A_42, %convert_element_type3A_36, %broadcast_in_dim3A_43 : vector<1024x320xi1>, vector<1024x320xf32>
    %reduce_min3A = arith.constant dense<0x7F800000> : vector<1024xf32>
    %reduce_min3A_44 = vector.multi_reduction <minimumf>, %select_n3A, %reduce_min3A [1] : vector<1024x320xf32> to vector<1024xf32>
    %broadcast_in_dim3A_45 = vector.shape_cast %reduce_min3A_44 : vector<1024xf32> to vector<1024x1xf32>
    %convert_element_type3A_46 = arith.fptosi %broadcast_in_dim3A_45 : vector<1024x1xf32> to vector<1024x1xi32>
    %eq3A_47 = vector.broadcast %broadcast_in_dim3A_41 : vector<1024x1xf32> to vector<1024x320xf32>
    %eq3A_48 = arith.cmpf oeq, %add3A_24, %eq3A_47 : vector<1024x320xf32>
    %jit3A_49 = arith.constant 6.400000e+02 : f32
    %broadcast_in_dim3A_50 = vector.broadcast %jit3A_49 : f32 to vector<1024x320xf32>
    %select_n3A_51 = arith.select %eq3A_48, %convert_element_type3A_36, %broadcast_in_dim3A_50 : vector<1024x320xi1>, vector<1024x320xf32>
    %reduce_min3A_52 = arith.constant dense<0x7F800000> : vector<1024xf32>
    %reduce_min3A_53 = vector.multi_reduction <minimumf>, %select_n3A_51, %reduce_min3A_52 [1] : vector<1024x320xf32> to vector<1024xf32>
    %broadcast_in_dim3A_54 = vector.shape_cast %reduce_min3A_53 : vector<1024xf32> to vector<1024x1xf32>
    %convert_element_type3A_55 = arith.fptosi %broadcast_in_dim3A_54 : vector<1024x1xf32> to vector<1024x1xi32>
    %transpose3A = tpu.transpose %convert_element_type3A_46, [1, 0] : vector<1024x1xi32> -> vector<1x1024xi32>
    %swap3A_56 = arith.constant 0 : index
    %swap3A_57 = arith.constant 0 : index
    %swap3A_58 = vector.load %arg6[%swap3A_56, %swap3A_57] : memref<2x1024xi32, #tpu.memory_space<vmem>>, vector<1x1024xi32>
    tpu.vector_store %arg6[%swap3A_56, %swap3A_57], %transpose3A {strides = array<i32>} : memref<2x1024xi32, #tpu.memory_space<vmem>>, vector<1x1024xi32>,
    %transpose3A_59 = tpu.transpose %convert_element_type3A_55, [1, 0] : vector<1024x1xi32> -> vector<1x1024xi32>
    %add3A_60 = arith.constant 320 : i32
    %add3A_61 = vector.broadcast %add3A_60 : i32 to vector<1x1024xi32>
    %add3A_62 = arith.addi %transpose3A_59, %add3A_61 : vector<1x1024xi32>
    %swap3A_63 = arith.constant 1 : index
    %swap3A_64 = arith.constant 0 : index
    %swap3A_65 = vector.load %arg6[%swap3A_63, %swap3A_64] : memref<2x1024xi32, #tpu.memory_space<vmem>>, vector<1x1024xi32>
    tpu.vector_store %arg6[%swap3A_63, %swap3A_64], %add3A_62 {strides = array<i32>} : memref<2x1024xi32, #tpu.memory_space<vmem>>, vector<1x1024xi32>,
    return
  }
  func.func @transform_0(%arg0: i32) -> (i32, i32) {
    %c0_i32 = arith.constant 0 : i32
    %c0_i32_0 = arith.constant 0 : i32
    return %arg0, %c0_i32 : i32, i32
  }
  func.func @transform_1(%arg0: i32) -> (i32, i32) {
    %c0_i32 = arith.constant 0 : i32
    %c0_i32_0 = arith.constant 0 : i32
    %c0_i32_1 = arith.constant 0 : i32
    return %c0_i32, %c0_i32_0 : i32, i32
  }
  func.func @transform_2(%arg0: i32) -> (i32, i32) {
    %c0_i32 = arith.constant 0 : i32
    %c0_i32_0 = arith.constant 0 : i32
    %c0_i32_1 = arith.constant 0 : i32
    return %c0_i32, %c0_i32_0 : i32, i32
  }
  func.func @transform_3(%arg0: i32) -> (i32, i32, i32) {
    %c0_i32 = arith.constant 0 : i32
    %c0_i32_0 = arith.constant 0 : i32
    %c0_i32_1 = arith.constant 0 : i32
    %c0_i32_2 = arith.constant 0 : i32
    return %c0_i32, %c0_i32_0, %c0_i32_1 : i32, i32, i32
  }
  func.func @transform_4(%arg0: i32) -> (i32, i32, i32) {
    %c0_i32 = arith.constant 0 : i32
    %c0_i32_0 = arith.constant 0 : i32
    %c0_i32_1 = arith.constant 0 : i32
    return %arg0, %c0_i32, %c0_i32_0 : i32, i32, i32
  }
  func.func @transform_5(%arg0: i32) -> (i32, i32) {
    %c0_i32 = arith.constant 0 : i32
    %c0_i32_0 = arith.constant 0 : i32
    return %c0_i32, %arg0 : i32, i32
  }
}

</mosaic_0001>

<sc_bundles>
// kernel: kernel.4.cloned.1.call-start
scs
__scs_entry_jumppad:
0x0: {  	(pc) =	sbr.rel $0x88, $3  }
0x1: {  	(tag) =	ssettag $0x0;
	lr =	simm.s32 $0x1  }
0x2: {  	[smem:$0x3F9D] =	sst lr;
	_ =	strace $0xD0000000  }
0x3: {  	_ = 	snop  }
0x4: {  	_ = 	snop  }
0x5: {  	_ = 	snop  }
0x6: {  	_ = 	snop  }
0x7: {  	_ = 	snop  }
__scs_overlays_trampoline_lowered:
0x8: {  	[smem:$0x3FAC] =	sst s0  }
0x9: {  	[smem:$0x3FAD] =	sst s1  }
0xa: {  	[smem:$0x3FAE] =	sst s2  }
0xb: {  	[smem:$0x3FAF] =	sst s3  }
0xc: {  	[smem:$0x3FB0] =	sst s4  }
0xd: {  	[smem:$0x3FB1] =	sst s5  }
0xe: {  	[smem:$0x3FB2] =	sst s6  }
0xf: {  	[smem:$0x3FB3] =	sst s7  }
0x10: {  	[smem:$0x3FB4] =	sst s8  }
0x11: {  	[smem:$0x3FB5] =	sst s9;
	s0 =	simm.s32 @!p0 $0x0  }
0x12: {  	s1 =	sld [smem:$0x3F9B];
	s0 =	simm.s32 @p0 $0x1  }
0x13: {  	[smem:$0x3FB6] =	sst s0;
	s0 =	simm.s32 @!p1 $0x0  }
0x14: {  	s2 =	sld [smem:$0x3F9A];
	s0 =	simm.s32 @p1 $0x1  }
0x15: {  	[smem:$0x3FB7] =	sst s0;
	s0 =	simm.s32 @!p2 $0x0  }
0x16: {  	s3 =	sld [smem:$0x3FDB];
	s0 =	simm.s32 @p2 $0x1  }
0x17: {  	s4 =	simm.s32 $0x1BF5;
	[smem:$0x3FB9] =	sst s0  }
0x18: {  	s0 =	sld [smem:$0x3F9C];
	_ =	swait.ge [sflag:s4], $0x0  }
0x19: {  	s7 =	sld [smem:$0x3F9D]  }
0x1a: {  	s8 =	sadd.s32 $0xFFFFE003, lr  }
0x1b: {  	s9 =	sadd.s32 $0xFFFFFEF7, lr;
	s5 =	simm.s32 $0xFFFFFFFF;
	p2 =	slt.u32 s8, $0xFFFFF086  }
0x1c: {  	p1 =	slt.u32 s9, $0xF7A;
	s5 =	simm.s32 @!p2 $0x0  }
0x1d: {  	s5 =	simm.s32 @p1 $0x1;
	p0 =	seq.s32 s7, s2  }
0x1e: {  	s7 =	smul.u32 @!p0 $0xF7A, s2;
	p2 =	seq.s32 @!p0 s5, $0x0  }
0x1f: {  	s9 =	smul.u32 $0xF7A, s1;
	s8 =	simm.s32 @!p0 $0x1BF5;
	p2 =	por !p2, p0  }
0x20: {  	[sflag:s8] =	ssyncset.s32 @!p0 $0xFFFFF086;
	s6 =	sadd.s32 @!p0 s3, s7;
	s7 =	simm.s32 @!p0 $0x108  }
0x21: {  	s3 =	sadd.s32 s3, s9;
	s6 =	sadd.s32 @!p0 $0x88, s6;
	s7 =	simm.s32 @p2 $0x1082  }
0x22: {  	[simem:s7], [sflag:s8] =	dma.local @!p0 [hbm:s6], $0xF7A  }
0x23: {  	s9 =	sor.u32 $0xD0000000, s2;
	s6 =	simm.s32 $0x108;
	_ =	swait.ge @!p0 [sflag:s8], $0x0  }
0x24: {  	s3 =	sadd.s32 $0x88, s3;
	s6 =	simm.s32 @!p1 $0x1082;
	[sflag:s4] =	ssyncset.s32 $0xFFFFF086  }
0x25: {  	[simem:s6], [sflag:s4] =	dma.local [hbm:s3], $0xF7A  }
0x26: {  	[smem:$0x3F9D] =	sst s1;
	(tag) =	ssettag s2;
	_ =	strace s9  }
0x27: {  	s1 =	sld [smem:$0x3FAD]  }
0x28: {  	s2 =	sld [smem:$0x3FAE]  }
0x29: {  	s4 =	sld [smem:$0x3FB0]  }
0x2a: {  	p0 =	seq.s32 s5, $0x0;
	s5 =	sld [smem:$0x3FB1]  }
0x2b: {  	s6 =	sld [smem:$0x3FB2]  }
0x2c: {  	s7 =	sld [smem:$0x3FB3]  }
0x2d: {  	s3 =	simm.s32 $0x108;
	s8 =	sld [smem:$0x3FB4]  }
0x2e: {  	s3 =	simm.s32 @!p0 $0x1082;
	s9 =	sld [smem:$0x3FB5]  }
0x2f: {  	lr =	sadd.s32 s0, s3;
	s0 =	sld [smem:$0x3FAC]  }
0x30: {  	s3 =	sld [smem:$0x3FAF]  }
0x31: {  	[smem:$0x3FB8] =	sst s10  }
0x32: {  	s10 =	sld [smem:$0x3FB6];
	_ =	sdelay $0x3  }
0x33: {  	p0 =	seq.s32 s10, $0x1;
	s10 =	sld [smem:$0x3FB8];
	_ =	sdelay $0x3  }
0x34: {  	[smem:$0x3FB8] =	sst s10  }
0x35: {  	s10 =	sld [smem:$0x3FB7];
	_ =	sdelay $0x3  }
0x36: {  	p1 =	seq.s32 s10, $0x1;
	s10 =	sld [smem:$0x3FB8];
	_ =	sdelay $0x3  }
0x37: {  	[smem:$0x3FB8] =	sst s10  }
0x38: {  	s10 =	sld [smem:$0x3FB9]  }
0x39: {  	_ = 	snop;
	(pc) =	sbr.ind lr, $3  }
0x3a: {  	_ = 	snop  }
0x3b: {  	_ = 	snop  }
0x3c: {  	p2 =	seq.s32 s10, $0x1;
	s10 =	sld [smem:$0x3FB8]  }
0x3d: {  	_ =	shalt  }
0x3e: {  	_ =	shalt  }
0x3f: {  	_ =	shalt  }
0x40: {  	_ =	shalt  }
0x41: {  	_ =	shalt  }
0x42: {  	_ =	shalt  }
0x43: {  	_ =	shalt  }
0x44: {  	_ =	shalt  }
0x45: {  	_ =	shalt  }
0x46: {  	_ =	shalt  }
0x47: {  	_ =	shalt  }
0x48: {  	_ =	shalt  }
0x49: {  	_ =	shalt  }
0x4a: {  	_ =	shalt  }
0x4b: {  	_ =	shalt  }
0x4c: {  	_ =	shalt  }
0x4d: {  	_ =	shalt  }
0x4e: {  	_ =	shalt  }
0x4f: {  	_ =	shalt  }
0x50: {  	_ =	shalt  }
0x51: {  	_ =	shalt  }
0x52: {  	_ =	shalt  }
0x53: {  	_ =	shalt  }
0x54: {  	_ =	shalt  }
0x55: {  	_ =	shalt  }
0x56: {  	_ =	shalt  }
0x57: {  	_ =	shalt  }
0x58: {  	_ =	shalt  }
0x59: {  	_ =	shalt  }
0x5a: {  	_ =	shalt  }
0x5b: {  	_ =	shalt  }
0x5c: {  	_ =	shalt  }
0x5d: {  	_ =	shalt  }
0x5e: {  	_ =	shalt  }
0x5f: {  	_ =	shalt  }
0x60: {  	_ =	shalt  }
0x61: {  	_ =	shalt  }
0x62: {  	_ =	shalt  }
0x63: {  	_ =	shalt  }
0x64: {  	_ =	shalt  }
0x65: {  	_ =	shalt  }
0x66: {  	_ =	shalt  }
0x67: {  	_ =	shalt  }
0x68: {  	_ =	shalt  }
0x69: {  	_ =	shalt  }
0x6a: {  	_ =	shalt  }
0x6b: {  	_ =	shalt  }
0x6c: {  	_ =	shalt  }
0x6d: {  	_ =	shalt  }
0x6e: {  	_ =	shalt  }
0x6f: {  	_ =	shalt  }
0x70: {  	_ =	shalt  }
0x71: {  	_ =	shalt  }
0x72: {  	_ =	shalt  }
0x73: {  	_ =	shalt  }
0x74: {  	_ =	shalt  }
0x75: {  	_ =	shalt  }
0x76: {  	_ =	shalt  }
0x77: {  	_ =	shalt  }
0x78: {  	_ =	shalt  }
0x79: {  	_ =	shalt  }
0x7a: {  	_ =	shalt  }
0x7b: {  	_ =	shalt  }
0x7c: {  	_ =	shalt  }
0x7d: {  	_ =	shalt  }
0x7e: {  	_ =	shalt  }
0x7f: {  	_ =	shalt  }
0x80: {  	_ =	shalt  }
0x81: {  	_ =	shalt  }
0x82: {  	_ =	shalt  }
0x83: {  	_ =	shalt  }
0x84: {  	_ =	shalt  }
0x85: {  	_ =	shalt  }
0x86: {  	_ =	shalt  }
0x87: {  	_ =	shalt  }
.Lfunc_end0:
.L_simem_size_0:
called_computation_lowered:
.L_overlay_start_0:
0x88: {  	s2 =	sld [smem:$0x3FD9]  }
0x89: {  	s3 =	sld [smem:$0x3FFE];
	_ =	sdelay $0x1  }
0x8a: {  	s1 =	srdreg.scid  }
0x8b: {  	s0 =	sand.u32 $0x1, s1  }
0x8c: {  	s14 =	sshll.u32 s0, $0xA;
	s2 =	sadd.s32 s3, s2  }
0x8d: {  	s2 =	sadd.s32 s2, s14  }
0x8e: {  	[smem:$0x3FC4] =	sst s2  }
0x8f: {  	_ = 	snop  }
0x90: {  	s2 =	sld [smem:$0x3FD0];
	_ =	sdelay $0x2  }
0x91: {  	s15 =	simm.s32 $0xA;
	s4 =	simm.s32 $0x10  }
0x92: {  	[smem:s4], [sflag:s15] =	dma.local [hbm:s2], $0x1  }
0x93: {  	_ =	swait.eq [sflag:s15], $0x1  }
0x94: {  	[sflag:s15] =	ssyncset.done $0x0  }
0x95: {  	[sflag:s15] =	ssyncadd.s32 $0xFFFFFFFF  }
0x96: {  	s16 =	sld [smem:$0x10];
	(tm) =	ssettm $0x1  }
0x97: {  	s17 =	sld [smem:$0x3FFB];
	_ =	sdelay $0x3  }
0x98: {  	_ =	strace s17  }
0x99: {  	s3 =	sld [smem:$0x3FFC];
	_ =	sdelay $0x3  }
0x9a: {  	_ =	strace s3  }
0x9b: {  	s3 =	sld [smem:$0x3FFD];
	_ =	sdelay $0x3  }
0x9c: {  	_ =	strace s3  }
0x9d: {  	_ =	strace $0x8FFFFFFF  }
0x9e: {  	s18 =	sld [smem:$0x3FDB];
	_ =	sdelay $0x1  }
0x9f: {  	s19 =	simm.s32 $_scs_section_size  }
0xa0: {  	s5 =	simm.s32 $_size__tile_overlayer_lowered;
	s6 =	simm.s32 $_tile_overlayer_lowered  }
0xa1: {  	s22 =	simm.s32 $0x1BFF;
	s21 =	sshll.u32 s6, $0x1;
	s3 =	sadd.s32 s19, s18  }
0xa2: {  	s7 =	simm.s32 $0x0;
	s20 =	sshll.u32 s5, $0x1;
	s5 =	sadd.s32 s21, s3  }
0xa3: {  	[timem:s7], [sflag:s22] =	dma.local [hbm:s5], s20  }
0xa4: {  	_ =	swait.ge [sflag:s22], s20  }
0xa5: {  	s4 =	ssub.s32 $0x0, s20;
	[sflag:s22] =	ssyncset.done $0x0  }
0xa6: {  	[sflag:s22] =	ssyncadd.s32 s4;
	_ =	sdelay $0x1  }
0xa7: {  	s23 =	simm.s32 $0x1B8B  }
0xa8: {  	_ =	swait.ge [sflag:s23], $0x1  }
0xa9: {  	[sflag:s23] =	ssyncset.done $0x0  }
0xaa: {  	s25 =	simm.s32 $0x1B8E;
	s24 =	sld [smem:$0x3FFE];
	[sflag:s23] =	ssyncadd.s32 $0xFFFFFFFF  }
0xab: {  	s26 =	simm.s32 $execute0_lowered;
	[smem:$0x3FD2] =	sst s25  }
0xac: {  	s5 =	sshll.u32 s26, $0x1;
	_ =	strace $0x80000046;
	[dreg:$0x1] =	wrdreg $0xFFFFFFFF  }
0xad: {  	s28 =	simm.s32 $_size_execute0_lowered;
	s3 =	sadd.s32 s3, s5;
	[dreg:$0x0] =	wrdreg $0x0  }
0xae: {  	s5 =	sshll.u32 s28, $0x1;
	[dreg:$0x2] =	wrdreg s3  }
0xaf: {  	[dreg:$0x3] =	wrdreg s5  }
0xb0: {  	[dreg:$0x4] =	wrdreg $0xC0  }
0xb1: {  	_ =	task [dreg:s7], $0x5FFFF  }
0xb2: {  	[dreg:$0x1] =	wrdreg $0xFFFFFFFF  }
0xb3: {  	[dreg:$0x0] =	wrdreg $0x60  }
0xb4: {  	[dreg:$0x2] =	wrdreg s24  }
0xb5: {  	[dreg:$0x3] =	wrdreg s16  }
0xb6: {  	[dreg:$0x4] =	wrdreg $0x9  }
0xb7: {  	_ =	task.clear_ibuf [dreg:s7], $0x5FFFF;
	_ =	strace $0x90000046  }
0xb8: {  	s29 =	simm.s32 $0x9;
	_ =	strace $0x8000004F  }
0xb9: {  	_ =	swait.ge [sflag:s29], $0x1  }
0xba: {  	[sflag:s29] =	ssyncadd.s32 $0xFFFFFFFF  }
0xbb: {  	_ =	strace $0x9000004F  }
0xbc: {  	_ =	sfence  }
0xbd: {  	s30 =	sld [smem:$0x0];
	_ =	sdelay $0x2  }
0xbe: {  	s31 =	sshll.u32 s1, $0xD;
	s1 =	sshrl.u32 s1, $0x2  }
0xbf: {  	s3 =	sand.u32 $0x4000, s31;
	s1 =	sadd.s32 s1, s30  }
0xc0: {  	s0 =	sor.u32 s3, s0;
	s1 =	sshll.u32 s1, $0x11  }
0xc1: {  	s0 =	sor.u32 s1, s0  }
0xc2: {  	s0 =	sadd.s32 $0x8F2B, s0  }
0xc3: {  	[sflag:s0] =	ssyncadd.remote.s32 $0x1  }
0xc4: {  	_ =	sfence.sel $0xFFFF  }
0xc5: {  	[dreg:$0x0] =	wrdreg $0xFFFFFFFF;
	(pc) =	sbr.abs _section_cstart, $3  }
0xc6: {  	[dreg:$0x1] =	wrdreg $0xFFFFFFFF  }
0xc7: {  	_ =	task.clear_ibuf [dreg:s7], $0x2FFFF;
	_ =	strace $0x9FFFFFFF  }
0xc8: {  	(tm) =	ssettm $0x7FFFFFFF  }
0xc9: {  	_ =	shalt  }
tec
execute0_lowered:
.L_overlay_start_1:
0x0: {  	(tag) =	ssettag $0x1  }
0x1: {  	s0 =	srdreg.scid  }
0x2: {  	s24 =	sand.u32 $0x1, s0  }
0x3: {  	s0 =	stileid.u32;
	s1 =	sshll.u32 s24, $0x4  }
0x4: {  	s7 =	rddreg [dreg:$0x0];
	s11 =	sor.u32 s0, s1  }
0x5: {  	s10 =	rddreg [dreg:$0x1];
	s2 =	simm.s32 $0x0;
	s3 =	smul.u32 $0xC0, s11  }
0x6: {  	[smem:$0x7FF] =	sst s2  }
0x7: {  	s1 =	rddreg [dreg:$0x2];
	_ =	strace $0x80000047;
	s21 =	sadd.s32 s3, s7  }
0x8: {  	_ =	strace $0x80000048;
	s3 =	sadd.s32 $0xC9800, s21  }
0x9: {  	[tilespmem:s2], [sflag:$0x1] =	stream.linear.gather [hbm4b:s3+s2], $0x100, $0x200038;
	[tilespmem:$0x10200] =	vst v63  }
0xa: {  	_ =	strace $0x90000048  }
0xb: {  	s5 =	simm.s32 $0x100;
	s4 =	sadd.s32 $0xC9820, s21;
	_ =	strace $0x80000049  }
0xc: {  	[tilespmem:s5], [sflag:$0x2] =	stream.linear.gather [hbm4b:s4+s2], $0x100, $0x200038;
	[tilespmem:$0x10200] =	vst v63  }
0xd: {  	_ =	strace $0x90000049  }
0xe: {  	s6 =	simm.s32 $0x1;
	_ =	strace $0x8000004A  }
0xf: {  	_ =	swait.ge [sflag:s6], $0x100  }
0x10: {  	[sflag:s6] =	ssyncset.done $0x0  }
0x11: {  	[sflag:s6] =	ssyncadd.s32 $0xFFFFFF00  }
0x12: {  	s8 =	simm.s32 $0x200;
	_ =	strace $0x9000004A  }
0x13: {  	s9 =	simm.s32 $0x5;
	s7 =	sadd.s32 $0x2000, s7;
	_ =	strace $0x8000004B  }
0x14: {  	[tilespmem:s8], [sflag:$0x5] =	stream.indirect.gather [hbm4b:s7+s5], $0x80, s2, s5, $0x2000b8;
	[tilespmem:$0x10200] =	vst v63  }
0x15: {  	_ =	swait.ge [sflag:s9], $0x8000  }
0x16: {  	[sflag:s9] =	ssyncset.done $0x0  }
0x17: {  	s11 =	smul.u32 $0x6000, s11;
	[sflag:s9] =	ssyncadd.s32 $0xFFFF8000  }
0x18: {  	_ =	strace $0x9000004B  }
0x19: {  	s10 =	sadd.s32 s10, s11;
	_ =	strace $0x8000004C  }
0x1a: {  	[hbm4b:s10+s2] =	stream.linear.scatter [tilespmem:s8], [sflag:$0x3], $0x8000, $0x200038;
	[tilespmem:$0x10200] =	vst v63  }
0x1b: {  	_ =	strace $0x9000004C  }
0x1c: {  	s11 =	sadd.s32 $0xC9840, s21;
	_ =	strace $0x80000049  }
0x1d: {  	[tilespmem:s2], [sflag:$0x1] =	stream.linear.gather [hbm4b:s11+s2], $0x100, $0x200038;
	[tilespmem:$0x10200] =	vst v63  }
0x1e: {  	_ =	strace $0x90000049  }
0x1f: {  	s12 =	simm.s32 $0x2;
	_ =	strace $0x8000004A  }
0x20: {  	_ =	swait.ge [sflag:s12], $0x100  }
0x21: {  	[sflag:s12] =	ssyncset.done $0x0  }
0x22: {  	[sflag:s12] =	ssyncadd.s32 $0xFFFFFF00  }
0x23: {  	_ =	strace $0x9000004A  }
0x24: {  	s13 =	simm.s32 $0x8200;
	_ =	strace $0x8000004B  }
0x25: {  	[tilespmem:s13], [sflag:$0x5] =	stream.indirect.gather [hbm4b:s7+s5], $0x80, s5, s5, $0x2000b8;
	[tilespmem:$0x10200] =	vst v63  }
0x26: {  	_ =	swait.ge [sflag:s9], $0x8000  }
0x27: {  	[sflag:s9] =	ssyncset.done $0x0  }
0x28: {  	[sflag:s9] =	ssyncadd.s32 $0xFFFF8000  }
0x29: {  	_ =	strace $0x9000004B  }
0x2a: {  	s14 =	sadd.s32 $0x1000, s10;
	_ =	strace $0x8000004C  }
0x2b: {  	[hbm4b:s14+s2] =	stream.linear.scatter [tilespmem:s13], [sflag:$0x4], $0x8000, $0x200038;
	[tilespmem:$0x10200] =	vst v63  }
0x2c: {  	_ =	strace $0x9000004C  }
0x2d: {  	s15 =	simm.s32 $0x3;
	_ =	strace $0x8000004D  }
0x2e: {  	_ =	swait.ge [sflag:s15], $0x8000  }
0x2f: {  	[sflag:s15] =	ssyncset.done $0x0  }
0x30: {  	[sflag:s15] =	ssyncadd.s32 $0xFFFF8000  }
0x31: {  	_ =	strace $0x9000004D  }
0x32: {  	s16 =	sadd.s32 $0xC9860, s21;
	_ =	strace $0x80000049  }
0x33: {  	[tilespmem:s5], [sflag:$0x2] =	stream.linear.gather [hbm4b:s16+s2], $0x100, $0x200038;
	[tilespmem:$0x10200] =	vst v63  }
0x34: {  	_ =	strace $0x90000049  }
0x35: {  	_ =	strace $0x8000004A  }
0x36: {  	_ =	swait.ge [sflag:s6], $0x100  }
0x37: {  	[sflag:s6] =	ssyncset.done $0x0  }
0x38: {  	[sflag:s6] =	ssyncadd.s32 $0xFFFFFF00  }
0x39: {  	_ =	strace $0x9000004A  }
0x3a: {  	_ =	strace $0x8000004B  }
0x3b: {  	[tilespmem:s8], [sflag:$0x5] =	stream.indirect.gather [hbm4b:s7+s5], $0x80, s2, s5, $0x2000b8;
	[tilespmem:$0x10200] =	vst v63  }
0x3c: {  	_ =	swait.ge [sflag:s9], $0x8000  }
0x3d: {  	[sflag:s9] =	ssyncset.done $0x0  }
0x3e: {  	[sflag:s9] =	ssyncadd.s32 $0xFFFF8000  }
0x3f: {  	_ =	strace $0x9000004B  }
0x40: {  	s17 =	sadd.s32 $0x2000, s10;
	_ =	strace $0x8000004C  }
0x41: {  	[hbm4b:s17+s2] =	stream.linear.scatter [tilespmem:s8], [sflag:$0x3], $0x8000, $0x200038;
	[tilespmem:$0x10200] =	vst v63  }
0x42: {  	_ =	strace $0x9000004C  }
0x43: {  	s18 =	simm.s32 $0x4;
	_ =	strace $0x8000004D  }
0x44: {  	_ =	swait.ge [sflag:s18], $0x8000  }
0x45: {  	[sflag:s18] =	ssyncset.done $0x0  }
0x46: {  	[sflag:s18] =	ssyncadd.s32 $0xFFFF8000  }
0x47: {  	_ =	strace $0x9000004D  }
0x48: {  	s19 =	sadd.s32 $0xC9880, s21;
	_ =	strace $0x80000049  }
0x49: {  	[tilespmem:s2], [sflag:$0x1] =	stream.linear.gather [hbm4b:s19+s2], $0x100, $0x200038;
	[tilespmem:$0x10200] =	vst v63  }
0x4a: {  	_ =	strace $0x90000049  }
0x4b: {  	_ =	strace $0x8000004A  }
0x4c: {  	_ =	swait.ge [sflag:s12], $0x100  }
0x4d: {  	[sflag:s12] =	ssyncset.done $0x0  }
0x4e: {  	[sflag:s12] =	ssyncadd.s32 $0xFFFFFF00  }
0x4f: {  	_ =	strace $0x9000004A  }
0x50: {  	_ =	strace $0x8000004B  }
0x51: {  	[tilespmem:s13], [sflag:$0x5] =	stream.indirect.gather [hbm4b:s7+s5], $0x80, s5, s5, $0x2000b8;
	[tilespmem:$0x10200] =	vst v63  }
0x52: {  	_ =	swait.ge [sflag:s9], $0x8000  }
0x53: {  	[sflag:s9] =	ssyncset.done $0x0  }
0x54: {  	[sflag:s9] =	ssyncadd.s32 $0xFFFF8000  }
0x55: {  	_ =	strace $0x9000004B  }
0x56: {  	s20 =	sadd.s32 $0x3000, s10;
	_ =	strace $0x8000004C  }
0x57: {  	[hbm4b:s20+s2] =	stream.linear.scatter [tilespmem:s13], [sflag:$0x4], $0x8000, $0x200038;
	[tilespmem:$0x10200] =	vst v63  }
0x58: {  	_ =	strace $0x9000004C  }
0x59: {  	_ =	strace $0x8000004D  }
0x5a: {  	_ =	swait.ge [sflag:s15], $0x8000  }
0x5b: {  	[sflag:s15] =	ssyncset.done $0x0  }
0x5c: {  	[sflag:s15] =	ssyncadd.s32 $0xFFFF8000  }
0x5d: {  	_ =	strace $0x9000004D  }
0x5e: {  	s21 =	sadd.s32 $0xC98A0, s21;
	_ =	strace $0x80000049  }
0x5f: {  	[tilespmem:s5], [sflag:$0x2] =	stream.linear.gather [hbm4b:s21+s2], $0x100, $0x200038;
	[tilespmem:$0x10200] =	vst v63  }
0x60: {  	_ =	strace $0x90000049  }
0x61: {  	_ =	strace $0x8000004A  }
0x62: {  	_ =	swait.ge [sflag:s6], $0x100  }
0x63: {  	[sflag:s6] =	ssyncset.done $0x0  }
0x64: {  	[sflag:s6] =	ssyncadd.s32 $0xFFFFFF00  }
0x65: {  	_ =	strace $0x9000004A  }
0x66: {  	_ =	strace $0x8000004B  }
0x67: {  	[tilespmem:s8], [sflag:$0x5] =	stream.indirect.gather [hbm4b:s7+s5], $0x80, s2, s5, $0x2000b8;
	[tilespmem:$0x10200] =	vst v63  }
0x68: {  	_ =	swait.ge [sflag:s9], $0x8000  }
0x69: {  	[sflag:s9] =	ssyncset.done $0x0  }
0x6a: {  	[sflag:s9] =	ssyncadd.s32 $0xFFFF8000  }
0x6b: {  	_ =	strace $0x9000004B  }
0x6c: {  	s22 =	sadd.s32 $0x4000, s10;
	_ =	strace $0x8000004C  }
0x6d: {  	[hbm4b:s22+s2] =	stream.linear.scatter [tilespmem:s8], [sflag:$0x3], $0x8000, $0x200038;
	[tilespmem:$0x10200] =	vst v63  }
0x6e: {  	_ =	strace $0x9000004C  }
0x6f: {  	_ =	strace $0x8000004D  }
0x70: {  	_ =	swait.ge [sflag:s18], $0x8000  }
0x71: {  	[sflag:s18] =	ssyncset.done $0x0  }
0x72: {  	[sflag:s18] =	ssyncadd.s32 $0xFFFF8000  }
0x73: {  	_ =	strace $0x9000004D  }
0x74: {  	_ =	strace $0x8000004A  }
0x75: {  	_ =	swait.ge [sflag:s12], $0x100  }
0x76: {  	[sflag:s12] =	ssyncset.done $0x0  }
0x77: {  	[sflag:s12] =	ssyncadd.s32 $0xFFFFFF00  }
0x78: {  	_ =	strace $0x9000004A  }
0x79: {  	_ =	strace $0x8000004B  }
0x7a: {  	[tilespmem:s13], [sflag:$0x5] =	stream.indirect.gather [hbm4b:s7+s5], $0x80, s5, s5, $0x2000b8;
	[tilespmem:$0x10200] =	vst v63  }
0x7b: {  	_ =	swait.ge [sflag:s9], $0x8000  }
0x7c: {  	[sflag:s9] =	ssyncset.done $0x0  }
0x7d: {  	[sflag:s9] =	ssyncadd.s32 $0xFFFF8000  }
0x7e: {  	_ =	strace $0x9000004B  }
0x7f: {  	s23 =	sadd.s32 $0x5000, s10;
	_ =	strace $0x8000004C  }
0x80: {  	[hbm4b:s23+s2] =	stream.linear.scatter [tilespmem:s13], [sflag:$0x4], $0x8000, $0x200038;
	[tilespmem:$0x10200] =	vst v63  }
0x81: {  	s24 =	ssub.s32 $0x2, s24;
	_ =	strace $0x9000004C  }
0x82: {  	s25 =	sshrl.u32 s24, $0x1;
	_ =	strace $0x8000004D  }
0x83: {  	s24 =	ssub.s32 s24, s25;
	_ =	swait.ge [sflag:s15], $0x8000  }
0x84: {  	s24 =	smax.u32 s24, $0x1;
	[sflag:s15] =	ssyncset.done $0x0  }
0x85: {  	p0 =	sne.s32 s24, $0x1;
	[sflag:s15] =	ssyncadd.s32 $0xFFFF8000  }
.Ltmp0:
0x86: {  	_ =	strace $0x9000004D;
	(pc) =	sbr.rel @!p0 .LBB2_2-.Ltmp0, $4  }
0x87: {  	_ =	strace $0x8000004E  }
0x88: {  	_ =	swait.ge [sflag:s18], $0x8000  }
0x89: {  	[sflag:s18] =	ssyncset.done $0x0  }
0x8a: {  	s24 =	sadd.s32 $0xFFFFFFFF, s24;
	[sflag:s18] =	ssyncadd.s32 $0xFFFF8000  }
.LBB2_1:
0x8b: {  	p0 =	sne.s32 s24, $0x1;
	s24 =	sadd.s32 $0xFFFFFFFF, s24;
	_ =	strace $0x9000004E  }
0x8c: {  	_ =	strace $0x80000048  }
0x8d: {  	[tilespmem:s2], [sflag:$0x1] =	stream.linear.gather [hbm4b:s3+s2], $0x100, $0x200038;
	[tilespmem:$0x10200] =	vst v63  }
0x8e: {  	_ =	strace $0x90000048  }
0x8f: {  	_ =	strace $0x80000049  }
0x90: {  	[tilespmem:s5], [sflag:$0x2] =	stream.linear.gather [hbm4b:s4+s2], $0x100, $0x200038;
	[tilespmem:$0x10200] =	vst v63  }
0x91: {  	_ =	strace $0x90000049  }
0x92: {  	_ =	strace $0x8000004A  }
0x93: {  	_ =	swait.ge [sflag:s6], $0x100  }
0x94: {  	[sflag:s6] =	ssyncset.done $0x0  }
0x95: {  	[sflag:s6] =	ssyncadd.s32 $0xFFFFFF00  }
0x96: {  	_ =	strace $0x9000004A  }
0x97: {  	_ =	strace $0x8000004B  }
0x98: {  	[tilespmem:s8], [sflag:$0x5] =	stream.indirect.gather [hbm4b:s7+s5], $0x80, s2, s5, $0x2000b8;
	[tilespmem:$0x10200] =	vst v63  }
0x99: {  	_ =	swait.ge [sflag:s9], $0x8000  }
0x9a: {  	[sflag:s9] =	ssyncset.done $0x0  }
0x9b: {  	[sflag:s9] =	ssyncadd.s32 $0xFFFF8000  }
0x9c: {  	_ =	strace $0x9000004B  }
0x9d: {  	_ =	strace $0x8000004C  }
0x9e: {  	[hbm4b:s10+s2] =	stream.linear.scatter [tilespmem:s8], [sflag:$0x3], $0x8000, $0x200038;
	[tilespmem:$0x10200] =	vst v63  }
0x9f: {  	_ =	strace $0x9000004C  }
0xa0: {  	_ =	strace $0x80000049  }
0xa1: {  	[tilespmem:s2], [sflag:$0x1] =	stream.linear.gather [hbm4b:s11+s2], $0x100, $0x200038;
	[tilespmem:$0x10200] =	vst v63  }
0xa2: {  	_ =	strace $0x90000049  }
0xa3: {  	_ =	strace $0x8000004A  }
0xa4: {  	_ =	swait.ge [sflag:s12], $0x100  }
0xa5: {  	[sflag:s12] =	ssyncset.done $0x0  }
0xa6: {  	[sflag:s12] =	ssyncadd.s32 $0xFFFFFF00  }
0xa7: {  	_ =	strace $0x9000004A  }
0xa8: {  	_ =	strace $0x8000004B  }
0xa9: {  	[tilespmem:s13], [sflag:$0x5] =	stream.indirect.gather [hbm4b:s7+s5], $0x80, s5, s5, $0x2000b8;
	[tilespmem:$0x10200] =	vst v63  }
0xaa: {  	_ =	swait.ge [sflag:s9], $0x8000  }
0xab: {  	[sflag:s9] =	ssyncset.done $0x0  }
0xac: {  	[sflag:s9] =	ssyncadd.s32 $0xFFFF8000  }
0xad: {  	_ =	strace $0x9000004B  }
0xae: {  	_ =	strace $0x8000004C  }
0xaf: {  	[hbm4b:s14+s2] =	stream.linear.scatter [tilespmem:s13], [sflag:$0x4], $0x8000, $0x200038;
	[tilespmem:$0x10200] =	vst v63  }
0xb0: {  	_ =	strace $0x9000004C  }
0xb1: {  	_ =	strace $0x8000004D  }
0xb2: {  	_ =	swait.ge [sflag:s15], $0x8000  }
0xb3: {  	[sflag:s15] =	ssyncset.done $0x0  }
0xb4: {  	[sflag:s15] =	ssyncadd.s32 $0xFFFF8000  }
0xb5: {  	_ =	strace $0x9000004D  }
0xb6: {  	_ =	strace $0x80000049  }
0xb7: {  	[tilespmem:s5], [sflag:$0x2] =	stream.linear.gather [hbm4b:s16+s2], $0x100, $0x200038;
	[tilespmem:$0x10200] =	vst v63  }
0xb8: {  	_ =	strace $0x90000049  }
0xb9: {  	_ =	strace $0x8000004A  }
0xba: {  	_ =	swait.ge [sflag:s6], $0x100  }
0xbb: {  	[sflag:s6] =	ssyncset.done $0x0  }
0xbc: {  	[sflag:s6] =	ssyncadd.s32 $0xFFFFFF00  }
0xbd: {  	_ =	strace $0x9000004A  }
0xbe: {  	_ =	strace $0x8000004B  }
0xbf: {  	[tilespmem:s8], [sflag:$0x5] =	stream.indirect.gather [hbm4b:s7+s5], $0x80, s2, s5, $0x2000b8;
	[tilespmem:$0x10200] =	vst v63  }
0xc0: {  	_ =	swait.ge [sflag:s9], $0x8000  }
0xc1: {  	[sflag:s9] =	ssyncset.done $0x0  }
0xc2: {  	[sflag:s9] =	ssyncadd.s32 $0xFFFF8000  }
0xc3: {  	_ =	strace $0x9000004B  }
0xc4: {  	_ =	strace $0x8000004C  }
0xc5: {  	[hbm4b:s17+s2] =	stream.linear.scatter [tilespmem:s8], [sflag:$0x3], $0x8000, $0x200038;
	[tilespmem:$0x10200] =	vst v63  }
0xc6: {  	_ =	strace $0x9000004C  }
0xc7: {  	_ =	strace $0x8000004D  }
0xc8: {  	_ =	swait.ge [sflag:s18], $0x8000  }
0xc9: {  	[sflag:s18] =	ssyncset.done $0x0  }
0xca: {  	[sflag:s18] =	ssyncadd.s32 $0xFFFF8000  }
0xcb: {  	_ =	strace $0x9000004D  }
0xcc: {  	_ =	strace $0x80000049  }
0xcd: {  	[tilespmem:s2], [sflag:$0x1] =	stream.linear.gather [hbm4b:s19+s2], $0x100, $0x200038;
	[tilespmem:$0x10200] =	vst v63  }
0xce: {  	_ =	strace $0x90000049  }
0xcf: {  	_ =	strace $0x8000004A  }
0xd0: {  	_ =	swait.ge [sflag:s12], $0x100  }
0xd1: {  	[sflag:s12] =	ssyncset.done $0x0  }
0xd2: {  	[sflag:s12] =	ssyncadd.s32 $0xFFFFFF00  }
0xd3: {  	_ =	strace $0x9000004A  }
0xd4: {  	_ =	strace $0x8000004B  }
0xd5: {  	[tilespmem:s13], [sflag:$0x5] =	stream.indirect.gather [hbm4b:s7+s5], $0x80, s5, s5, $0x2000b8;
	[tilespmem:$0x10200] =	vst v63  }
0xd6: {  	_ =	swait.ge [sflag:s9], $0x8000  }
0xd7: {  	[sflag:s9] =	ssyncset.done $0x0  }
0xd8: {  	[sflag:s9] =	ssyncadd.s32 $0xFFFF8000  }
0xd9: {  	_ =	strace $0x9000004B  }
0xda: {  	_ =	strace $0x8000004C  }
0xdb: {  	[hbm4b:s20+s2] =	stream.linear.scatter [tilespmem:s13], [sflag:$0x4], $0x8000, $0x200038;
	[tilespmem:$0x10200] =	vst v63  }
0xdc: {  	_ =	strace $0x9000004C  }
0xdd: {  	_ =	strace $0x8000004D  }
0xde: {  	_ =	swait.ge [sflag:s15], $0x8000  }
0xdf: {  	[sflag:s15] =	ssyncset.done $0x0  }
0xe0: {  	[sflag:s15] =	ssyncadd.s32 $0xFFFF8000  }
0xe1: {  	_ =	strace $0x9000004D  }
0xe2: {  	_ =	strace $0x80000049  }
0xe3: {  	[tilespmem:s5], [sflag:$0x2] =	stream.linear.gather [hbm4b:s21+s2], $0x100, $0x200038;
	[tilespmem:$0x10200] =	vst v63  }
0xe4: {  	_ =	strace $0x90000049  }
0xe5: {  	_ =	strace $0x8000004A  }
0xe6: {  	_ =	swait.ge [sflag:s6], $0x100  }
0xe7: {  	[sflag:s6] =	ssyncset.done $0x0  }
0xe8: {  	[sflag:s6] =	ssyncadd.s32 $0xFFFFFF00  }
0xe9: {  	_ =	strace $0x9000004A  }
0xea: {  	_ =	strace $0x8000004B  }
0xeb: {  	[tilespmem:s8], [sflag:$0x5] =	stream.indirect.gather [hbm4b:s7+s5], $0x80, s2, s5, $0x2000b8;
	[tilespmem:$0x10200] =	vst v63  }
0xec: {  	_ =	swait.ge [sflag:s9], $0x8000  }
0xed: {  	[sflag:s9] =	ssyncset.done $0x0  }
0xee: {  	[sflag:s9] =	ssyncadd.s32 $0xFFFF8000  }
0xef: {  	_ =	strace $0x9000004B  }
0xf0: {  	_ =	strace $0x8000004C  }
0xf1: {  	[hbm4b:s22+s2] =	stream.linear.scatter [tilespmem:s8], [sflag:$0x3], $0x8000, $0x200038;
	[tilespmem:$0x10200] =	vst v63  }
0xf2: {  	_ =	strace $0x9000004C  }
0xf3: {  	_ =	strace $0x8000004D  }
0xf4: {  	_ =	swait.ge [sflag:s18], $0x8000  }
0xf5: {  	[sflag:s18] =	ssyncset.done $0x0  }
0xf6: {  	[sflag:s18] =	ssyncadd.s32 $0xFFFF8000  }
0xf7: {  	_ =	strace $0x9000004D  }
0xf8: {  	_ =	strace $0x8000004A  }
0xf9: {  	_ =	swait.ge [sflag:s12], $0x100  }
0xfa: {  	[sflag:s12] =	ssyncset.done $0x0  }
0xfb: {  	[sflag:s12] =	ssyncadd.s32 $0xFFFFFF00  }
0xfc: {  	_ =	strace $0x9000004A  }
0xfd: {  	_ =	strace $0x8000004B  }
0xfe: {  	[tilespmem:s13], [sflag:$0x5] =	stream.indirect.gather [hbm4b:s7+s5], $0x80, s5, s5, $0x2000b8;
	[tilespmem:$0x10200] =	vst v63  }
0xff: {  	_ =	swait.ge [sflag:s9], $0x8000  }
0x100: {  	[sflag:s9] =	ssyncset.done $0x0  }
0x101: {  	[sflag:s9] =	ssyncadd.s32 $0xFFFF8000  }
0x102: {  	_ =	strace $0x9000004B  }
0x103: {  	_ =	strace $0x8000004C  }
0x104: {  	[hbm4b:s23+s2] =	stream.linear.scatter [tilespmem:s13], [sflag:$0x4], $0x8000, $0x200038;
	[tilespmem:$0x10200] =	vst v63  }
0x105: {  	_ =	strace $0x9000004C  }
0x106: {  	_ =	strace $0x8000004D  }
0x107: {  	_ =	swait.ge [sflag:s15], $0x8000  }
0x108: {  	[sflag:s15] =	ssyncset.done $0x0  }
0x109: {  	[sflag:s15] =	ssyncadd.s32 $0xFFFF8000  }
.Ltmp1:
0x10a: {  	_ =	strace $0x9000004D;
	(pc) =	sbr.rel @p0 .LBB2_1-.Ltmp1, $4  }
0x10b: {  	_ =	strace $0x8000004E  }
0x10c: {  	_ =	swait.ge [sflag:s18], $0x8000  }
0x10d: {  	[sflag:s18] =	ssyncset.done $0x0  }
0x10e: {  	[sflag:s18] =	ssyncadd.s32 $0xFFFF8000  }
.LBB2_2:
0x10f: {  	_ =	strace $0x9000004E  }
0x110: {  	_ =	sfence.sel $0x180000  }
0x111: {  	[bflag:$0x0] =	sbarrier.arrive $0xFFFF  }
0x112: {  	p0 =	sne.s32 s0, $0x0;
	_ =	strace $0x90000047  }
0x113: {  	s0 =	sadd.s32 @!p0 $0x100000, s1;
	[bflag:$0x2] =	sbarrier.arrive $0xFFFF  }
0x114: {  	[sflag:s0] =	ssyncadd.tile.s32 @!p0 $0x1;
	_ =	shalt  }
.Lfunc_end2:
_tile_overlayer_lowered:
.L_overlay_start_2:
0x115: {  	(tag) =	ssettag $0x2  }
0x116: {  	s0 =	rddreg [dreg:$0x0];
	s2 =	stileid.u32  }
0x117: {  	s1 =	rddreg [dreg:$0x1];
	p0 =	sne.s32 s2, $0x0  }
0x118: {  	s3 =	rddreg [dreg:$0x2];
	[bflag:$0x3] =	sbarrier.arrive $0xFFFF;
	s2 =	simm.s32 @!p0 $0x1C01  }
0x119: {  	[timem:s3], [sflag:s2] =	dma.local @!p0 [hbm:s0], s1  }
0x11a: {  	s0 =	simm.s32 @!p0 $0x1  }
0x11b: {  	_ =	swait.ge @!p0 [sflag:s0], s1  }
0x11c: {  	s1 =	ssub.s32 @!p0 $0x0, s1;
	[sflag:s0] =	ssyncset.done @!p0 $0x0  }
0x11d: {  	[sflag:s0] =	ssyncadd.s32 @!p0 s1  }
0x11e: {  	[bflag:$0x3] =	sbarrier.arrive $0xFFFF  }
0x11f: {  	_ =	shalt  }

</sc_bundles>
